<compile_context>
chip_gen: v7x
topology: tpu7x:2x2x1
jax: 0.10.2.dev20260603
libtpu: 0.0.44.dev20260713+nightly
codegen_flags: <defaults>
</compile_context>

<pallas_src>
import functools

import jax
import jax.numpy as jnp
from jax import lax
from jax.experimental import pallas as pl
from jax.experimental.pallas import tpu as pltpu
from jax.experimental.pallas import tpu_sc as plsc

SEQ = 50
BATCH = 1024
EMB = 16
TOTAL = SEQ * BATCH

NUM_CORES = 2
NUM_SUBCORES = 16
NW = NUM_CORES * NUM_SUBCORES
HALF = NW // 2
PER_W = TOTAL // HALF
CHUNK = 128
NCHUNK = PER_W // CHUNK

_mesh = plsc.VectorSubcoreMesh(core_axis_name="c", subcore_axis_name="s")


@functools.partial(
    pl.kernel,
    mesh=_mesh,
    out_type=(
        jax.ShapeDtypeStruct((TOTAL, EMB), jnp.float32),
        jax.ShapeDtypeStruct((TOTAL, EMB), jnp.float32),
    ),
    scratch_types=[
        pltpu.VMEM((NCHUNK, CHUNK), jnp.int32),
        pltpu.VMEM((PER_W, EMB), jnp.float32),
        pltpu.SemaphoreType.DMA,
    ],
    compiler_params=pltpu.CompilerParams(use_tc_tiling_on_sc=False),
)
def _dual_gather(prem_hbm, hypo_hbm, table_hbm, prem_out, hypo_out,
                 idx_v, rows_v, sem):
    wid = lax.axis_index("s") * NUM_CORES + lax.axis_index("c")
    is_prem = wid < HALF
    blk = jnp.where(is_prem, wid, wid - HALF)

    @pl.when(is_prem)
    def _():
        pltpu.sync_copy(prem_hbm.at[blk], idx_v)

    @pl.when(jnp.logical_not(is_prem))
    def _():
        pltpu.sync_copy(hypo_hbm.at[blk], idx_v)

    copies = [
        pltpu.async_copy(
            table_hbm.at[idx_v.at[j]],
            rows_v.at[pl.ds(j * CHUNK, CHUNK)],
            sem,
        )
        for j in range(NCHUNK)
    ]
    for c in copies:
        c.wait()

    @pl.when(is_prem)
    def _():
        pltpu.sync_copy(rows_v, prem_out.at[pl.ds(blk * PER_W, PER_W)])

    @pl.when(jnp.logical_not(is_prem))
    def _():
        pltpu.sync_copy(rows_v, hypo_out.at[pl.ds(blk * PER_W, PER_W)])


def kernel(premises_batch, hypotheses_batch, embedding_table):
    prem_idx = premises_batch.reshape(HALF, NCHUNK, CHUNK).astype(jnp.int32)
    hypo_idx = hypotheses_batch.reshape(HALF, NCHUNK, CHUNK).astype(jnp.int32)
    prem_rows, hypo_rows = _dual_gather(prem_idx, hypo_idx, embedding_table)
    return (
        prem_rows.reshape(SEQ, BATCH, EMB),
        hypo_rows.reshape(SEQ, BATCH, EMB),
    )

# --- scband reference (transcript-rebuilt; emitter-appended) ---
"""Pipeline reference for scband-word-representation-layer-41901700940430 (READ-ONLY COPY).

The authoritative reference and input builder live on the scoring server;
editing this copy changes nothing except your own understanding.
"""

import jax, jax.numpy as jnp
import numpy as np

VOCAB = 1000000
EMB_DIM = 16
SEQ_LEN = 50
BATCH = 1024


def setup_inputs(seed: int = 0) -> dict:
    key = jax.random.key(seed)
    k1, k2, k3 = jax.random.split(key, 3)
    premises_batch = jax.random.randint(k1, (SEQ_LEN, BATCH), 0, VOCAB, dtype=jnp.int64) if jax.config.jax_enable_x64 else jax.random.randint(k1, (SEQ_LEN, BATCH), 0, VOCAB).astype(jnp.int32)
    hypotheses_batch = jax.random.randint(k2, (SEQ_LEN, BATCH), 0, VOCAB, dtype=jnp.int64) if jax.config.jax_enable_x64 else jax.random.randint(k2, (SEQ_LEN, BATCH), 0, VOCAB).astype(jnp.int32)
    embedding_table = jax.random.normal(k3, (VOCAB, EMB_DIM), dtype=jnp.float32)
    return {
        "premises_batch": premises_batch,
        "hypotheses_batch": hypotheses_batch,
        "embedding_table": embedding_table,
    }


def reference(premises_batch, hypotheses_batch, embedding_table):
    # WordRepresentationLayer with no char/pos embeddings: pure embedding lookup
    # on both premise and hypothesis token-id tensors of shape [seq_len, batch].
    prem_vecs = jnp.take(embedding_table, premises_batch, axis=0)  # [seq_len, batch, emb_dim]
    hypo_vecs = jnp.take(embedding_table, hypotheses_batch, axis=0)  # [seq_len, batch, emb_dim]
    return (prem_vecs, hypo_vecs)

if __name__ == "__main__":
    import jax
    _d = setup_inputs()
    print(jax.jit(kernel)(*tuple(_d.values())))

</pallas_src>

<mosaic_0001>
#map = affine_map<(d0, d1) -> (0, 0, 0)>
#map1 = affine_map<(d0, d1) -> (0, 0)>
module attributes {stable_mosaic.version = 14 : i64} {
  func.func @_dual_gather(%arg0: i32, %arg1: i32, %arg2: memref<16x25x128xi32, #tpu.memory_space<hbm>>, %arg3: memref<16x25x128xi32, #tpu.memory_space<hbm>>, %arg4: memref<1000000x16xf32, #tpu.memory_space<hbm>>, %arg5: memref<51200x16xf32, #tpu.memory_space<hbm>>, %arg6: memref<51200x16xf32, #tpu.memory_space<hbm>>, %arg7: memref<25x128xi32, #tpu.memory_space<vmem>>, %arg8: memref<3200x16xf32, #tpu.memory_space<vmem>>, %arg9: memref<!tpu.dma_semaphore, #tpu.memory_space<semaphore_mem>>) attributes {dimension_semantics = [#tpu.dimension_semantics<core_parallel>, #tpu.dimension_semantics<subcore_parallel>], iteration_bounds = array<i64: 2, 16>, scalar_prefetch = 0 : i64, scratch_operands = 3 : i64, tpu.core_type = #tpu.core_type<sc_vector_subcore>, window_params = [{transform_indices = #map}, {transform_indices = #map}, {transform_indices = #map1}, {transform_indices = #map1}, {transform_indices = #map1}]} {
    %mul3A = arith.constant 2 : i32
    %mul3A_0 = arith.muli %arg1, %mul3A : i32
    %add3A = arith.addi %mul3A_0, %arg0 : i32
    %lt3A = arith.constant 16 : i32
    %lt3A_1 = arith.cmpi slt, %add3A, %lt3A : i32
    %sub3A = arith.constant 16 : i32
    %sub3A_2 = arith.subi %add3A, %sub3A : i32
    %select_n3A = arith.select %lt3A_1, %add3A, %sub3A_2 : i32
    %convert_element_type3A = arith.extui %lt3A_1 : i1 to i32
    %cond3A = arith.constant 0 : i32
    %cond3A_3 = arith.cmpi ne, %convert_element_type3A, %cond3A : i32
    scf.if %cond3A_3 {
      "tpu.region"() ({
        %run_scoped3A = tpu.sem_alloc : memref<!tpu.dma_semaphore, #tpu.memory_space<semaphore_mem>>
        %dma_start3A_514 = arith.constant 0 : i32
        %dma_start3A_515 = arith.constant 0 : i32
        %dma_start3A_516 = tpu.memref_slice %arg2[%select_n3A, %dma_start3A_514, %dma_start3A_515] : memref<16x25x128xi32, #tpu.memory_space<hbm>> -> memref<1x25x128xi32, #tpu.memory_space<hbm>>
        %dma_start3A_517 = tpu.memref_squeeze %dma_start3A_516 : memref<1x25x128xi32, #tpu.memory_space<hbm>> -> memref<25x128xi32, #tpu.memory_space<hbm>>
        %dma_start3A_518 = arith.constant 0 : i32
        %dma_start3A_519 = arith.constant 0 : i32
        %dma_start3A_520 = tpu.memref_slice %arg2[%select_n3A, %dma_start3A_518, %dma_start3A_519] : memref<16x25x128xi32, #tpu.memory_space<hbm>> -> memref<1x25x128xi32, #tpu.memory_space<hbm>>
        %dma_start3A_521 = tpu.memref_squeeze %dma_start3A_520 : memref<1x25x128xi32, #tpu.memory_space<hbm>> -> memref<25x128xi32, #tpu.memory_space<hbm>>
        tpu.enqueue_dma source(%dma_start3A_521 : memref<25x128xi32, #tpu.memory_space<hbm>>) target(%arg7 : memref<25x128xi32, #tpu.memory_space<vmem>>) target_semaphore(%run_scoped3A : memref<!tpu.dma_semaphore, #tpu.memory_space<semaphore_mem>>)
        %dma_wait3A_522 = arith.constant 0 : i32
        %dma_wait3A_523 = arith.constant 0 : i32
        %dma_wait3A_524 = tpu.memref_slice %arg2[%select_n3A, %dma_wait3A_522, %dma_wait3A_523] : memref<16x25x128xi32, #tpu.memory_space<hbm>> -> memref<1x25x128xi32, #tpu.memory_space<hbm>>
        %dma_wait3A_525 = tpu.memref_squeeze %dma_wait3A_524 : memref<1x25x128xi32, #tpu.memory_space<hbm>> -> memref<25x128xi32, #tpu.memory_space<hbm>>
        %dma_wait3A_526 = arith.constant 0 : i32
        %dma_wait3A_527 = arith.constant 0 : i32
        %dma_wait3A_528 = tpu.memref_slice %arg2[%select_n3A, %dma_wait3A_526, %dma_wait3A_527] : memref<16x25x128xi32, #tpu.memory_space<hbm>> -> memref<1x25x128xi32, #tpu.memory_space<hbm>>
        %dma_wait3A_529 = tpu.memref_squeeze %dma_wait3A_528 : memref<1x25x128xi32, #tpu.memory_space<hbm>> -> memref<25x128xi32, #tpu.memory_space<hbm>>
        tpu.wait_dma2 semaphore(%run_scoped3A : memref<!tpu.dma_semaphore, #tpu.memory_space<semaphore_mem>>) src(%dma_wait3A_529 : memref<25x128xi32, #tpu.memory_space<hbm>>) dst(%arg7 : memref<25x128xi32, #tpu.memory_space<vmem>>)
        tpu.yield
      }) : () -> ()
    } else {
    }
    %not3A = arith.constant true
    %not3A_4 = arith.xori %lt3A_1, %not3A : i1
    %convert_element_type3A_5 = arith.extui %not3A_4 : i1 to i32
    %cond3A_6 = arith.constant 0 : i32
    %cond3A_7 = arith.cmpi ne, %convert_element_type3A_5, %cond3A_6 : i32
    scf.if %cond3A_7 {
      "tpu.region"() ({
        %run_scoped3A = tpu.sem_alloc : memref<!tpu.dma_semaphore, #tpu.memory_space<semaphore_mem>>
        %dma_start3A_514 = arith.constant 0 : i32
        %dma_start3A_515 = arith.constant 0 : i32
        %dma_start3A_516 = tpu.memref_slice %arg3[%select_n3A, %dma_start3A_514, %dma_start3A_515] : memref<16x25x128xi32, #tpu.memory_space<hbm>> -> memref<1x25x128xi32, #tpu.memory_space<hbm>>
        %dma_start3A_517 = tpu.memref_squeeze %dma_start3A_516 : memref<1x25x128xi32, #tpu.memory_space<hbm>> -> memref<25x128xi32, #tpu.memory_space<hbm>>
        %dma_start3A_518 = arith.constant 0 : i32
        %dma_start3A_519 = arith.constant 0 : i32
        %dma_start3A_520 = tpu.memref_slice %arg3[%select_n3A, %dma_start3A_518, %dma_start3A_519] : memref<16x25x128xi32, #tpu.memory_space<hbm>> -> memref<1x25x128xi32, #tpu.memory_space<hbm>>
        %dma_start3A_521 = tpu.memref_squeeze %dma_start3A_520 : memref<1x25x128xi32, #tpu.memory_space<hbm>> -> memref<25x128xi32, #tpu.memory_space<hbm>>
        tpu.enqueue_dma source(%dma_start3A_521 : memref<25x128xi32, #tpu.memory_space<hbm>>) target(%arg7 : memref<25x128xi32, #tpu.memory_space<vmem>>) target_semaphore(%run_scoped3A : memref<!tpu.dma_semaphore, #tpu.memory_space<semaphore_mem>>)
        %dma_wait3A_522 = arith.constant 0 : i32
        %dma_wait3A_523 = arith.constant 0 : i32
        %dma_wait3A_524 = tpu.memref_slice %arg3[%select_n3A, %dma_wait3A_522, %dma_wait3A_523] : memref<16x25x128xi32, #tpu.memory_space<hbm>> -> memref<1x25x128xi32, #tpu.memory_space<hbm>>
        %dma_wait3A_525 = tpu.memref_squeeze %dma_wait3A_524 : memref<1x25x128xi32, #tpu.memory_space<hbm>> -> memref<25x128xi32, #tpu.memory_space<hbm>>
        %dma_wait3A_526 = arith.constant 0 : i32
        %dma_wait3A_527 = arith.constant 0 : i32
        %dma_wait3A_528 = tpu.memref_slice %arg3[%select_n3A, %dma_wait3A_526, %dma_wait3A_527] : memref<16x25x128xi32, #tpu.memory_space<hbm>> -> memref<1x25x128xi32, #tpu.memory_space<hbm>>
        %dma_wait3A_529 = tpu.memref_squeeze %dma_wait3A_528 : memref<1x25x128xi32, #tpu.memory_space<hbm>> -> memref<25x128xi32, #tpu.memory_space<hbm>>
        tpu.wait_dma2 semaphore(%run_scoped3A : memref<!tpu.dma_semaphore, #tpu.memory_space<semaphore_mem>>) src(%dma_wait3A_529 : memref<25x128xi32, #tpu.memory_space<hbm>>) dst(%arg7 : memref<25x128xi32, #tpu.memory_space<vmem>>)
        tpu.yield
      }) : () -> ()
    } else {
    }
    %dma_start3A = arith.constant 0 : i32
    %dma_start3A_8 = arith.constant 0 : i32
    %dma_start3A_9 = arith.constant 0 : i32
    %dma_start3A_10 = tpu.memref_slice %arg8[%dma_start3A_8, %dma_start3A_9] : memref<3200x16xf32, #tpu.memory_space<vmem>> -> memref<128x16xf32, #tpu.memory_space<vmem>>
    %dma_start3A_11 = arith.constant 0 : i32
    %dma_start3A_12 = tpu.memref_slice %arg7[%dma_start3A, %dma_start3A_11] : memref<25x128xi32, #tpu.memory_space<vmem>> -> memref<1x128xi32, #tpu.memory_space<vmem>>
    %dma_start3A_13 = tpu.memref_squeeze %dma_start3A_12 : memref<1x128xi32, #tpu.memory_space<vmem>> -> memref<128xi32, #tpu.memory_space<vmem>>
    %dma_start3A_14 = arith.constant 0 : i32
    %dma_start3A_15 = arith.constant 0 : i32
    %dma_start3A_16 = tpu.memref_slice %arg4[%dma_start3A_14, %dma_start3A_15] : memref<1000000x16xf32, #tpu.memory_space<hbm>> -> memref<1000000x16xf32, #tpu.memory_space<hbm>>
    tpu.enqueue_indirect_dma source(%dma_start3A_16 : memref<1000000x16xf32, #tpu.memory_space<hbm>>) target(%dma_start3A_10 : memref<128x16xf32, #tpu.memory_space<vmem>>) offsets(%dma_start3A_13 : memref<128xi32, #tpu.memory_space<vmem>>) semaphore(%arg9 : memref<!tpu.dma_semaphore, #tpu.memory_space<semaphore_mem>>)
    %dma_start3A_17 = arith.constant 1 : i32
    %dma_start3A_18 = arith.constant 128 : i32
    %dma_start3A_19 = arith.constant 0 : i32
    %dma_start3A_20 = tpu.memref_slice %arg8[%dma_start3A_18, %dma_start3A_19] : memref<3200x16xf32, #tpu.memory_space<vmem>> -> memref<128x16xf32, #tpu.memory_space<vmem>>
    %dma_start3A_21 = arith.constant 0 : i32
    %dma_start3A_22 = tpu.memref_slice %arg7[%dma_start3A_17, %dma_start3A_21] : memref<25x128xi32, #tpu.memory_space<vmem>> -> memref<1x128xi32, #tpu.memory_space<vmem>>
    %dma_start3A_23 = tpu.memref_squeeze %dma_start3A_22 : memref<1x128xi32, #tpu.memory_space<vmem>> -> memref<128xi32, #tpu.memory_space<vmem>>
    %dma_start3A_24 = arith.constant 0 : i32
    %dma_start3A_25 = arith.constant 0 : i32
    %dma_start3A_26 = tpu.memref_slice %arg4[%dma_start3A_24, %dma_start3A_25] : memref<1000000x16xf32, #tpu.memory_space<hbm>> -> memref<1000000x16xf32, #tpu.memory_space<hbm>>
    tpu.enqueue_indirect_dma source(%dma_start3A_26 : memref<1000000x16xf32, #tpu.memory_space<hbm>>) target(%dma_start3A_20 : memref<128x16xf32, #tpu.memory_space<vmem>>) offsets(%dma_start3A_23 : memref<128xi32, #tpu.memory_space<vmem>>) semaphore(%arg9 : memref<!tpu.dma_semaphore, #tpu.memory_space<semaphore_mem>>)
    %dma_start3A_27 = arith.constant 2 : i32
    %dma_start3A_28 = arith.constant 256 : i32
    %dma_start3A_29 = arith.constant 0 : i32
    %dma_start3A_30 = tpu.memref_slice %arg8[%dma_start3A_28, %dma_start3A_29] : memref<3200x16xf32, #tpu.memory_space<vmem>> -> memref<128x16xf32, #tpu.memory_space<vmem>>
    %dma_start3A_31 = arith.constant 0 : i32
    %dma_start3A_32 = tpu.memref_slice %arg7[%dma_start3A_27, %dma_start3A_31] : memref<25x128xi32, #tpu.memory_space<vmem>> -> memref<1x128xi32, #tpu.memory_space<vmem>>
    %dma_start3A_33 = tpu.memref_squeeze %dma_start3A_32 : memref<1x128xi32, #tpu.memory_space<vmem>> -> memref<128xi32, #tpu.memory_space<vmem>>
    %dma_start3A_34 = arith.constant 0 : i32
    %dma_start3A_35 = arith.constant 0 : i32
    %dma_start3A_36 = tpu.memref_slice %arg4[%dma_start3A_34, %dma_start3A_35] : memref<1000000x16xf32, #tpu.memory_space<hbm>> -> memref<1000000x16xf32, #tpu.memory_space<hbm>>
    tpu.enqueue_indirect_dma source(%dma_start3A_36 : memref<1000000x16xf32, #tpu.memory_space<hbm>>) target(%dma_start3A_30 : memref<128x16xf32, #tpu.memory_space<vmem>>) offsets(%dma_start3A_33 : memref<128xi32, #tpu.memory_space<vmem>>) semaphore(%arg9 : memref<!tpu.dma_semaphore, #tpu.memory_space<semaphore_mem>>)
    %dma_start3A_37 = arith.constant 3 : i32
    %dma_start3A_38 = arith.constant 384 : i32
    %dma_start3A_39 = arith.constant 0 : i32
    %dma_start3A_40 = tpu.memref_slice %arg8[%dma_start3A_38, %dma_start3A_39] : memref<3200x16xf32, #tpu.memory_space<vmem>> -> memref<128x16xf32, #tpu.memory_space<vmem>>
    %dma_start3A_41 = arith.constant 0 : i32
    %dma_start3A_42 = tpu.memref_slice %arg7[%dma_start3A_37, %dma_start3A_41] : memref<25x128xi32, #tpu.memory_space<vmem>> -> memref<1x128xi32, #tpu.memory_space<vmem>>
    %dma_start3A_43 = tpu.memref_squeeze %dma_start3A_42 : memref<1x128xi32, #tpu.memory_space<vmem>> -> memref<128xi32, #tpu.memory_space<vmem>>
    %dma_start3A_44 = arith.constant 0 : i32
    %dma_start3A_45 = arith.constant 0 : i32
    %dma_start3A_46 = tpu.memref_slice %arg4[%dma_start3A_44, %dma_start3A_45] : memref<1000000x16xf32, #tpu.memory_space<hbm>> -> memref<1000000x16xf32, #tpu.memory_space<hbm>>
    tpu.enqueue_indirect_dma source(%dma_start3A_46 : memref<1000000x16xf32, #tpu.memory_space<hbm>>) target(%dma_start3A_40 : memref<128x16xf32, #tpu.memory_space<vmem>>) offsets(%dma_start3A_43 : memref<128xi32, #tpu.memory_space<vmem>>) semaphore(%arg9 : memref<!tpu.dma_semaphore, #tpu.memory_space<semaphore_mem>>)
    %dma_start3A_47 = arith.constant 4 : i32
    %dma_start3A_48 = arith.constant 512 : i32
    %dma_start3A_49 = arith.constant 0 : i32
    %dma_start3A_50 = tpu.memref_slice %arg8[%dma_start3A_48, %dma_start3A_49] : memref<3200x16xf32, #tpu.memory_space<vmem>> -> memref<128x16xf32, #tpu.memory_space<vmem>>
    %dma_start3A_51 = arith.constant 0 : i32
    %dma_start3A_52 = tpu.memref_slice %arg7[%dma_start3A_47, %dma_start3A_51] : memref<25x128xi32, #tpu.memory_space<vmem>> -> memref<1x128xi32, #tpu.memory_space<vmem>>
    %dma_start3A_53 = tpu.memref_squeeze %dma_start3A_52 : memref<1x128xi32, #tpu.memory_space<vmem>> -> memref<128xi32, #tpu.memory_space<vmem>>
    %dma_start3A_54 = arith.constant 0 : i32
    %dma_start3A_55 = arith.constant 0 : i32
    %dma_start3A_56 = tpu.memref_slice %arg4[%dma_start3A_54, %dma_start3A_55] : memref<1000000x16xf32, #tpu.memory_space<hbm>> -> memref<1000000x16xf32, #tpu.memory_space<hbm>>
    tpu.enqueue_indirect_dma source(%dma_start3A_56 : memref<1000000x16xf32, #tpu.memory_space<hbm>>) target(%dma_start3A_50 : memref<128x16xf32, #tpu.memory_space<vmem>>) offsets(%dma_start3A_53 : memref<128xi32, #tpu.memory_space<vmem>>) semaphore(%arg9 : memref<!tpu.dma_semaphore, #tpu.memory_space<semaphore_mem>>)
    %dma_start3A_57 = arith.constant 5 : i32
    %dma_start3A_58 = arith.constant 640 : i32
    %dma_start3A_59 = arith.constant 0 : i32
    %dma_start3A_60 = tpu.memref_slice %arg8[%dma_start3A_58, %dma_start3A_59] : memref<3200x16xf32, #tpu.memory_space<vmem>> -> memref<128x16xf32, #tpu.memory_space<vmem>>
    %dma_start3A_61 = arith.constant 0 : i32
    %dma_start3A_62 = tpu.memref_slice %arg7[%dma_start3A_57, %dma_start3A_61] : memref<25x128xi32, #tpu.memory_space<vmem>> -> memref<1x128xi32, #tpu.memory_space<vmem>>
    %dma_start3A_63 = tpu.memref_squeeze %dma_start3A_62 : memref<1x128xi32, #tpu.memory_space<vmem>> -> memref<128xi32, #tpu.memory_space<vmem>>
    %dma_start3A_64 = arith.constant 0 : i32
    %dma_start3A_65 = arith.constant 0 : i32
    %dma_start3A_66 = tpu.memref_slice %arg4[%dma_start3A_64, %dma_start3A_65] : memref<1000000x16xf32, #tpu.memory_space<hbm>> -> memref<1000000x16xf32, #tpu.memory_space<hbm>>
    tpu.enqueue_indirect_dma source(%dma_start3A_66 : memref<1000000x16xf32, #tpu.memory_space<hbm>>) target(%dma_start3A_60 : memref<128x16xf32, #tpu.memory_space<vmem>>) offsets(%dma_start3A_63 : memref<128xi32, #tpu.memory_space<vmem>>) semaphore(%arg9 : memref<!tpu.dma_semaphore, #tpu.memory_space<semaphore_mem>>)
    %dma_start3A_67 = arith.constant 6 : i32
    %dma_start3A_68 = arith.constant 768 : i32
    %dma_start3A_69 = arith.constant 0 : i32
    %dma_start3A_70 = tpu.memref_slice %arg8[%dma_start3A_68, %dma_start3A_69] : memref<3200x16xf32, #tpu.memory_space<vmem>> -> memref<128x16xf32, #tpu.memory_space<vmem>>
    %dma_start3A_71 = arith.constant 0 : i32
    %dma_start3A_72 = tpu.memref_slice %arg7[%dma_start3A_67, %dma_start3A_71] : memref<25x128xi32, #tpu.memory_space<vmem>> -> memref<1x128xi32, #tpu.memory_space<vmem>>
    %dma_start3A_73 = tpu.memref_squeeze %dma_start3A_72 : memref<1x128xi32, #tpu.memory_space<vmem>> -> memref<128xi32, #tpu.memory_space<vmem>>
    %dma_start3A_74 = arith.constant 0 : i32
    %dma_start3A_75 = arith.constant 0 : i32
    %dma_start3A_76 = tpu.memref_slice %arg4[%dma_start3A_74, %dma_start3A_75] : memref<1000000x16xf32, #tpu.memory_space<hbm>> -> memref<1000000x16xf32, #tpu.memory_space<hbm>>
    tpu.enqueue_indirect_dma source(%dma_start3A_76 : memref<1000000x16xf32, #tpu.memory_space<hbm>>) target(%dma_start3A_70 : memref<128x16xf32, #tpu.memory_space<vmem>>) offsets(%dma_start3A_73 : memref<128xi32, #tpu.memory_space<vmem>>) semaphore(%arg9 : memref<!tpu.dma_semaphore, #tpu.memory_space<semaphore_mem>>)
    %dma_start3A_77 = arith.constant 7 : i32
    %dma_start3A_78 = arith.constant 896 : i32
    %dma_start3A_79 = arith.constant 0 : i32
    %dma_start3A_80 = tpu.memref_slice %arg8[%dma_start3A_78, %dma_start3A_79] : memref<3200x16xf32, #tpu.memory_space<vmem>> -> memref<128x16xf32, #tpu.memory_space<vmem>>
    %dma_start3A_81 = arith.constant 0 : i32
    %dma_start3A_82 = tpu.memref_slice %arg7[%dma_start3A_77, %dma_start3A_81] : memref<25x128xi32, #tpu.memory_space<vmem>> -> memref<1x128xi32, #tpu.memory_space<vmem>>
    %dma_start3A_83 = tpu.memref_squeeze %dma_start3A_82 : memref<1x128xi32, #tpu.memory_space<vmem>> -> memref<128xi32, #tpu.memory_space<vmem>>
    %dma_start3A_84 = arith.constant 0 : i32
    %dma_start3A_85 = arith.constant 0 : i32
    %dma_start3A_86 = tpu.memref_slice %arg4[%dma_start3A_84, %dma_start3A_85] : memref<1000000x16xf32, #tpu.memory_space<hbm>> -> memref<1000000x16xf32, #tpu.memory_space<hbm>>
    tpu.enqueue_indirect_dma source(%dma_start3A_86 : memref<1000000x16xf32, #tpu.memory_space<hbm>>) target(%dma_start3A_80 : memref<128x16xf32, #tpu.memory_space<vmem>>) offsets(%dma_start3A_83 : memref<128xi32, #tpu.memory_space<vmem>>) semaphore(%arg9 : memref<!tpu.dma_semaphore, #tpu.memory_space<semaphore_mem>>)
    %dma_start3A_87 = arith.constant 8 : i32
    %dma_start3A_88 = arith.constant 1024 : i32
    %dma_start3A_89 = arith.constant 0 : i32
    %dma_start3A_90 = tpu.memref_slice %arg8[%dma_start3A_88, %dma_start3A_89] : memref<3200x16xf32, #tpu.memory_space<vmem>> -> memref<128x16xf32, #tpu.memory_space<vmem>>
    %dma_start3A_91 = arith.constant 0 : i32
    %dma_start3A_92 = tpu.memref_slice %arg7[%dma_start3A_87, %dma_start3A_91] : memref<25x128xi32, #tpu.memory_space<vmem>> -> memref<1x128xi32, #tpu.memory_space<vmem>>
    %dma_start3A_93 = tpu.memref_squeeze %dma_start3A_92 : memref<1x128xi32, #tpu.memory_space<vmem>> -> memref<128xi32, #tpu.memory_space<vmem>>
    %dma_start3A_94 = arith.constant 0 : i32
    %dma_start3A_95 = arith.constant 0 : i32
    %dma_start3A_96 = tpu.memref_slice %arg4[%dma_start3A_94, %dma_start3A_95] : memref<1000000x16xf32, #tpu.memory_space<hbm>> -> memref<1000000x16xf32, #tpu.memory_space<hbm>>
    tpu.enqueue_indirect_dma source(%dma_start3A_96 : memref<1000000x16xf32, #tpu.memory_space<hbm>>) target(%dma_start3A_90 : memref<128x16xf32, #tpu.memory_space<vmem>>) offsets(%dma_start3A_93 : memref<128xi32, #tpu.memory_space<vmem>>) semaphore(%arg9 : memref<!tpu.dma_semaphore, #tpu.memory_space<semaphore_mem>>)
    %dma_start3A_97 = arith.constant 9 : i32
    %dma_start3A_98 = arith.constant 1152 : i32
    %dma_start3A_99 = arith.constant 0 : i32
    %dma_start3A_100 = tpu.memref_slice %arg8[%dma_start3A_98, %dma_start3A_99] : memref<3200x16xf32, #tpu.memory_space<vmem>> -> memref<128x16xf32, #tpu.memory_space<vmem>>
    %dma_start3A_101 = arith.constant 0 : i32
    %dma_start3A_102 = tpu.memref_slice %arg7[%dma_start3A_97, %dma_start3A_101] : memref<25x128xi32, #tpu.memory_space<vmem>> -> memref<1x128xi32, #tpu.memory_space<vmem>>
    %dma_start3A_103 = tpu.memref_squeeze %dma_start3A_102 : memref<1x128xi32, #tpu.memory_space<vmem>> -> memref<128xi32, #tpu.memory_space<vmem>>
    %dma_start3A_104 = arith.constant 0 : i32
    %dma_start3A_105 = arith.constant 0 : i32
    %dma_start3A_106 = tpu.memref_slice %arg4[%dma_start3A_104, %dma_start3A_105] : memref<1000000x16xf32, #tpu.memory_space<hbm>> -> memref<1000000x16xf32, #tpu.memory_space<hbm>>
    tpu.enqueue_indirect_dma source(%dma_start3A_106 : memref<1000000x16xf32, #tpu.memory_space<hbm>>) target(%dma_start3A_100 : memref<128x16xf32, #tpu.memory_space<vmem>>) offsets(%dma_start3A_103 : memref<128xi32, #tpu.memory_space<vmem>>) semaphore(%arg9 : memref<!tpu.dma_semaphore, #tpu.memory_space<semaphore_mem>>)
    %dma_start3A_107 = arith.constant 10 : i32
    %dma_start3A_108 = arith.constant 1280 : i32
    %dma_start3A_109 = arith.constant 0 : i32
    %dma_start3A_110 = tpu.memref_slice %arg8[%dma_start3A_108, %dma_start3A_109] : memref<3200x16xf32, #tpu.memory_space<vmem>> -> memref<128x16xf32, #tpu.memory_space<vmem>>
    %dma_start3A_111 = arith.constant 0 : i32
    %dma_start3A_112 = tpu.memref_slice %arg7[%dma_start3A_107, %dma_start3A_111] : memref<25x128xi32, #tpu.memory_space<vmem>> -> memref<1x128xi32, #tpu.memory_space<vmem>>
    %dma_start3A_113 = tpu.memref_squeeze %dma_start3A_112 : memref<1x128xi32, #tpu.memory_space<vmem>> -> memref<128xi32, #tpu.memory_space<vmem>>
    %dma_start3A_114 = arith.constant 0 : i32
    %dma_start3A_115 = arith.constant 0 : i32
    %dma_start3A_116 = tpu.memref_slice %arg4[%dma_start3A_114, %dma_start3A_115] : memref<1000000x16xf32, #tpu.memory_space<hbm>> -> memref<1000000x16xf32, #tpu.memory_space<hbm>>
    tpu.enqueue_indirect_dma source(%dma_start3A_116 : memref<1000000x16xf32, #tpu.memory_space<hbm>>) target(%dma_start3A_110 : memref<128x16xf32, #tpu.memory_space<vmem>>) offsets(%dma_start3A_113 : memref<128xi32, #tpu.memory_space<vmem>>) semaphore(%arg9 : memref<!tpu.dma_semaphore, #tpu.memory_space<semaphore_mem>>)
    %dma_start3A_117 = arith.constant 11 : i32
    %dma_start3A_118 = arith.constant 1408 : i32
    %dma_start3A_119 = arith.constant 0 : i32
    %dma_start3A_120 = tpu.memref_slice %arg8[%dma_start3A_118, %dma_start3A_119] : memref<3200x16xf32, #tpu.memory_space<vmem>> -> memref<128x16xf32, #tpu.memory_space<vmem>>
    %dma_start3A_121 = arith.constant 0 : i32
    %dma_start3A_122 = tpu.memref_slice %arg7[%dma_start3A_117, %dma_start3A_121] : memref<25x128xi32, #tpu.memory_space<vmem>> -> memref<1x128xi32, #tpu.memory_space<vmem>>
    %dma_start3A_123 = tpu.memref_squeeze %dma_start3A_122 : memref<1x128xi32, #tpu.memory_space<vmem>> -> memref<128xi32, #tpu.memory_space<vmem>>
    %dma_start3A_124 = arith.constant 0 : i32
    %dma_start3A_125 = arith.constant 0 : i32
    %dma_start3A_126 = tpu.memref_slice %arg4[%dma_start3A_124, %dma_start3A_125] : memref<1000000x16xf32, #tpu.memory_space<hbm>> -> memref<1000000x16xf32, #tpu.memory_space<hbm>>
    tpu.enqueue_indirect_dma source(%dma_start3A_126 : memref<1000000x16xf32, #tpu.memory_space<hbm>>) target(%dma_start3A_120 : memref<128x16xf32, #tpu.memory_space<vmem>>) offsets(%dma_start3A_123 : memref<128xi32, #tpu.memory_space<vmem>>) semaphore(%arg9 : memref<!tpu.dma_semaphore, #tpu.memory_space<semaphore_mem>>)
    %dma_start3A_127 = arith.constant 12 : i32
    %dma_start3A_128 = arith.constant 1536 : i32
    %dma_start3A_129 = arith.constant 0 : i32
    %dma_start3A_130 = tpu.memref_slice %arg8[%dma_start3A_128, %dma_start3A_129] : memref<3200x16xf32, #tpu.memory_space<vmem>> -> memref<128x16xf32, #tpu.memory_space<vmem>>
    %dma_start3A_131 = arith.constant 0 : i32
    %dma_start3A_132 = tpu.memref_slice %arg7[%dma_start3A_127, %dma_start3A_131] : memref<25x128xi32, #tpu.memory_space<vmem>> -> memref<1x128xi32, #tpu.memory_space<vmem>>
    %dma_start3A_133 = tpu.memref_squeeze %dma_start3A_132 : memref<1x128xi32, #tpu.memory_space<vmem>> -> memref<128xi32, #tpu.memory_space<vmem>>
    %dma_start3A_134 = arith.constant 0 : i32
    %dma_start3A_135 = arith.constant 0 : i32
    %dma_start3A_136 = tpu.memref_slice %arg4[%dma_start3A_134, %dma_start3A_135] : memref<1000000x16xf32, #tpu.memory_space<hbm>> -> memref<1000000x16xf32, #tpu.memory_space<hbm>>
    tpu.enqueue_indirect_dma source(%dma_start3A_136 : memref<1000000x16xf32, #tpu.memory_space<hbm>>) target(%dma_start3A_130 : memref<128x16xf32, #tpu.memory_space<vmem>>) offsets(%dma_start3A_133 : memref<128xi32, #tpu.memory_space<vmem>>) semaphore(%arg9 : memref<!tpu.dma_semaphore, #tpu.memory_space<semaphore_mem>>)
    %dma_start3A_137 = arith.constant 13 : i32
    %dma_start3A_138 = arith.constant 1664 : i32
    %dma_start3A_139 = arith.constant 0 : i32
    %dma_start3A_140 = tpu.memref_slice %arg8[%dma_start3A_138, %dma_start3A_139] : memref<3200x16xf32, #tpu.memory_space<vmem>> -> memref<128x16xf32, #tpu.memory_space<vmem>>
    %dma_start3A_141 = arith.constant 0 : i32
    %dma_start3A_142 = tpu.memref_slice %arg7[%dma_start3A_137, %dma_start3A_141] : memref<25x128xi32, #tpu.memory_space<vmem>> -> memref<1x128xi32, #tpu.memory_space<vmem>>
    %dma_start3A_143 = tpu.memref_squeeze %dma_start3A_142 : memref<1x128xi32, #tpu.memory_space<vmem>> -> memref<128xi32, #tpu.memory_space<vmem>>
    %dma_start3A_144 = arith.constant 0 : i32
    %dma_start3A_145 = arith.constant 0 : i32
    %dma_start3A_146 = tpu.memref_slice %arg4[%dma_start3A_144, %dma_start3A_145] : memref<1000000x16xf32, #tpu.memory_space<hbm>> -> memref<1000000x16xf32, #tpu.memory_space<hbm>>
    tpu.enqueue_indirect_dma source(%dma_start3A_146 : memref<1000000x16xf32, #tpu.memory_space<hbm>>) target(%dma_start3A_140 : memref<128x16xf32, #tpu.memory_space<vmem>>) offsets(%dma_start3A_143 : memref<128xi32, #tpu.memory_space<vmem>>) semaphore(%arg9 : memref<!tpu.dma_semaphore, #tpu.memory_space<semaphore_mem>>)
    %dma_start3A_147 = arith.constant 14 : i32
    %dma_start3A_148 = arith.constant 1792 : i32
    %dma_start3A_149 = arith.constant 0 : i32
    %dma_start3A_150 = tpu.memref_slice %arg8[%dma_start3A_148, %dma_start3A_149] : memref<3200x16xf32, #tpu.memory_space<vmem>> -> memref<128x16xf32, #tpu.memory_space<vmem>>
    %dma_start3A_151 = arith.constant 0 : i32
    %dma_start3A_152 = tpu.memref_slice %arg7[%dma_start3A_147, %dma_start3A_151] : memref<25x128xi32, #tpu.memory_space<vmem>> -> memref<1x128xi32, #tpu.memory_space<vmem>>
    %dma_start3A_153 = tpu.memref_squeeze %dma_start3A_152 : memref<1x128xi32, #tpu.memory_space<vmem>> -> memref<128xi32, #tpu.memory_space<vmem>>
    %dma_start3A_154 = arith.constant 0 : i32
    %dma_start3A_155 = arith.constant 0 : i32
    %dma_start3A_156 = tpu.memref_slice %arg4[%dma_start3A_154, %dma_start3A_155] : memref<1000000x16xf32, #tpu.memory_space<hbm>> -> memref<1000000x16xf32, #tpu.memory_space<hbm>>
    tpu.enqueue_indirect_dma source(%dma_start3A_156 : memref<1000000x16xf32, #tpu.memory_space<hbm>>) target(%dma_start3A_150 : memref<128x16xf32, #tpu.memory_space<vmem>>) offsets(%dma_start3A_153 : memref<128xi32, #tpu.memory_space<vmem>>) semaphore(%arg9 : memref<!tpu.dma_semaphore, #tpu.memory_space<semaphore_mem>>)
    %dma_start3A_157 = arith.constant 15 : i32
    %dma_start3A_158 = arith.constant 1920 : i32
    %dma_start3A_159 = arith.constant 0 : i32
    %dma_start3A_160 = tpu.memref_slice %arg8[%dma_start3A_158, %dma_start3A_159] : memref<3200x16xf32, #tpu.memory_space<vmem>> -> memref<128x16xf32, #tpu.memory_space<vmem>>
    %dma_start3A_161 = arith.constant 0 : i32
    %dma_start3A_162 = tpu.memref_slice %arg7[%dma_start3A_157, %dma_start3A_161] : memref<25x128xi32, #tpu.memory_space<vmem>> -> memref<1x128xi32, #tpu.memory_space<vmem>>
    %dma_start3A_163 = tpu.memref_squeeze %dma_start3A_162 : memref<1x128xi32, #tpu.memory_space<vmem>> -> memref<128xi32, #tpu.memory_space<vmem>>
    %dma_start3A_164 = arith.constant 0 : i32
    %dma_start3A_165 = arith.constant 0 : i32
    %dma_start3A_166 = tpu.memref_slice %arg4[%dma_start3A_164, %dma_start3A_165] : memref<1000000x16xf32, #tpu.memory_space<hbm>> -> memref<1000000x16xf32, #tpu.memory_space<hbm>>
    tpu.enqueue_indirect_dma source(%dma_start3A_166 : memref<1000000x16xf32, #tpu.memory_space<hbm>>) target(%dma_start3A_160 : memref<128x16xf32, #tpu.memory_space<vmem>>) offsets(%dma_start3A_163 : memref<128xi32, #tpu.memory_space<vmem>>) semaphore(%arg9 : memref<!tpu.dma_semaphore, #tpu.memory_space<semaphore_mem>>)
    %dma_start3A_167 = arith.constant 16 : i32
    %dma_start3A_168 = arith.constant 2048 : i32
    %dma_start3A_169 = arith.constant 0 : i32
    %dma_start3A_170 = tpu.memref_slice %arg8[%dma_start3A_168, %dma_start3A_169] : memref<3200x16xf32, #tpu.memory_space<vmem>> -> memref<128x16xf32, #tpu.memory_space<vmem>>
    %dma_start3A_171 = arith.constant 0 : i32
    %dma_start3A_172 = tpu.memref_slice %arg7[%dma_start3A_167, %dma_start3A_171] : memref<25x128xi32, #tpu.memory_space<vmem>> -> memref<1x128xi32, #tpu.memory_space<vmem>>
    %dma_start3A_173 = tpu.memref_squeeze %dma_start3A_172 : memref<1x128xi32, #tpu.memory_space<vmem>> -> memref<128xi32, #tpu.memory_space<vmem>>
    %dma_start3A_174 = arith.constant 0 : i32
    %dma_start3A_175 = arith.constant 0 : i32
    %dma_start3A_176 = tpu.memref_slice %arg4[%dma_start3A_174, %dma_start3A_175] : memref<1000000x16xf32, #tpu.memory_space<hbm>> -> memref<1000000x16xf32, #tpu.memory_space<hbm>>
    tpu.enqueue_indirect_dma source(%dma_start3A_176 : memref<1000000x16xf32, #tpu.memory_space<hbm>>) target(%dma_start3A_170 : memref<128x16xf32, #tpu.memory_space<vmem>>) offsets(%dma_start3A_173 : memref<128xi32, #tpu.memory_space<vmem>>) semaphore(%arg9 : memref<!tpu.dma_semaphore, #tpu.memory_space<semaphore_mem>>)
    %dma_start3A_177 = arith.constant 17 : i32
    %dma_start3A_178 = arith.constant 2176 : i32
    %dma_start3A_179 = arith.constant 0 : i32
    %dma_start3A_180 = tpu.memref_slice %arg8[%dma_start3A_178, %dma_start3A_179] : memref<3200x16xf32, #tpu.memory_space<vmem>> -> memref<128x16xf32, #tpu.memory_space<vmem>>
    %dma_start3A_181 = arith.constant 0 : i32
    %dma_start3A_182 = tpu.memref_slice %arg7[%dma_start3A_177, %dma_start3A_181] : memref<25x128xi32, #tpu.memory_space<vmem>> -> memref<1x128xi32, #tpu.memory_space<vmem>>
    %dma_start3A_183 = tpu.memref_squeeze %dma_start3A_182 : memref<1x128xi32, #tpu.memory_space<vmem>> -> memref<128xi32, #tpu.memory_space<vmem>>
    %dma_start3A_184 = arith.constant 0 : i32
    %dma_start3A_185 = arith.constant 0 : i32
    %dma_start3A_186 = tpu.memref_slice %arg4[%dma_start3A_184, %dma_start3A_185] : memref<1000000x16xf32, #tpu.memory_space<hbm>> -> memref<1000000x16xf32, #tpu.memory_space<hbm>>
    tpu.enqueue_indirect_dma source(%dma_start3A_186 : memref<1000000x16xf32, #tpu.memory_space<hbm>>) target(%dma_start3A_180 : memref<128x16xf32, #tpu.memory_space<vmem>>) offsets(%dma_start3A_183 : memref<128xi32, #tpu.memory_space<vmem>>) semaphore(%arg9 : memref<!tpu.dma_semaphore, #tpu.memory_space<semaphore_mem>>)
    %dma_start3A_187 = arith.constant 18 : i32
    %dma_start3A_188 = arith.constant 2304 : i32
    %dma_start3A_189 = arith.constant 0 : i32
    %dma_start3A_190 = tpu.memref_slice %arg8[%dma_start3A_188, %dma_start3A_189] : memref<3200x16xf32, #tpu.memory_space<vmem>> -> memref<128x16xf32, #tpu.memory_space<vmem>>
    %dma_start3A_191 = arith.constant 0 : i32
    %dma_start3A_192 = tpu.memref_slice %arg7[%dma_start3A_187, %dma_start3A_191] : memref<25x128xi32, #tpu.memory_space<vmem>> -> memref<1x128xi32, #tpu.memory_space<vmem>>
    %dma_start3A_193 = tpu.memref_squeeze %dma_start3A_192 : memref<1x128xi32, #tpu.memory_space<vmem>> -> memref<128xi32, #tpu.memory_space<vmem>>
    %dma_start3A_194 = arith.constant 0 : i32
    %dma_start3A_195 = arith.constant 0 : i32
    %dma_start3A_196 = tpu.memref_slice %arg4[%dma_start3A_194, %dma_start3A_195] : memref<1000000x16xf32, #tpu.memory_space<hbm>> -> memref<1000000x16xf32, #tpu.memory_space<hbm>>
    tpu.enqueue_indirect_dma source(%dma_start3A_196 : memref<1000000x16xf32, #tpu.memory_space<hbm>>) target(%dma_start3A_190 : memref<128x16xf32, #tpu.memory_space<vmem>>) offsets(%dma_start3A_193 : memref<128xi32, #tpu.memory_space<vmem>>) semaphore(%arg9 : memref<!tpu.dma_semaphore, #tpu.memory_space<semaphore_mem>>)
    %dma_start3A_197 = arith.constant 19 : i32
    %dma_start3A_198 = arith.constant 2432 : i32
    %dma_start3A_199 = arith.constant 0 : i32
    %dma_start3A_200 = tpu.memref_slice %arg8[%dma_start3A_198, %dma_start3A_199] : memref<3200x16xf32, #tpu.memory_space<vmem>> -> memref<128x16xf32, #tpu.memory_space<vmem>>
    %dma_start3A_201 = arith.constant 0 : i32
    %dma_start3A_202 = tpu.memref_slice %arg7[%dma_start3A_197, %dma_start3A_201] : memref<25x128xi32, #tpu.memory_space<vmem>> -> memref<1x128xi32, #tpu.memory_space<vmem>>
    %dma_start3A_203 = tpu.memref_squeeze %dma_start3A_202 : memref<1x128xi32, #tpu.memory_space<vmem>> -> memref<128xi32, #tpu.memory_space<vmem>>
    %dma_start3A_204 = arith.constant 0 : i32
    %dma_start3A_205 = arith.constant 0 : i32
    %dma_start3A_206 = tpu.memref_slice %arg4[%dma_start3A_204, %dma_start3A_205] : memref<1000000x16xf32, #tpu.memory_space<hbm>> -> memref<1000000x16xf32, #tpu.memory_space<hbm>>
    tpu.enqueue_indirect_dma source(%dma_start3A_206 : memref<1000000x16xf32, #tpu.memory_space<hbm>>) target(%dma_start3A_200 : memref<128x16xf32, #tpu.memory_space<vmem>>) offsets(%dma_start3A_203 : memref<128xi32, #tpu.memory_space<vmem>>) semaphore(%arg9 : memref<!tpu.dma_semaphore, #tpu.memory_space<semaphore_mem>>)
    %dma_start3A_207 = arith.constant 20 : i32
    %dma_start3A_208 = arith.constant 2560 : i32
    %dma_start3A_209 = arith.constant 0 : i32
    %dma_start3A_210 = tpu.memref_slice %arg8[%dma_start3A_208, %dma_start3A_209] : memref<3200x16xf32, #tpu.memory_space<vmem>> -> memref<128x16xf32, #tpu.memory_space<vmem>>
    %dma_start3A_211 = arith.constant 0 : i32
    %dma_start3A_212 = tpu.memref_slice %arg7[%dma_start3A_207, %dma_start3A_211] : memref<25x128xi32, #tpu.memory_space<vmem>> -> memref<1x128xi32, #tpu.memory_space<vmem>>
    %dma_start3A_213 = tpu.memref_squeeze %dma_start3A_212 : memref<1x128xi32, #tpu.memory_space<vmem>> -> memref<128xi32, #tpu.memory_space<vmem>>
    %dma_start3A_214 = arith.constant 0 : i32
    %dma_start3A_215 = arith.constant 0 : i32
    %dma_start3A_216 = tpu.memref_slice %arg4[%dma_start3A_214, %dma_start3A_215] : memref<1000000x16xf32, #tpu.memory_space<hbm>> -> memref<1000000x16xf32, #tpu.memory_space<hbm>>
    tpu.enqueue_indirect_dma source(%dma_start3A_216 : memref<1000000x16xf32, #tpu.memory_space<hbm>>) target(%dma_start3A_210 : memref<128x16xf32, #tpu.memory_space<vmem>>) offsets(%dma_start3A_213 : memref<128xi32, #tpu.memory_space<vmem>>) semaphore(%arg9 : memref<!tpu.dma_semaphore, #tpu.memory_space<semaphore_mem>>)
    %dma_start3A_217 = arith.constant 21 : i32
    %dma_start3A_218 = arith.constant 2688 : i32
    %dma_start3A_219 = arith.constant 0 : i32
    %dma_start3A_220 = tpu.memref_slice %arg8[%dma_start3A_218, %dma_start3A_219] : memref<3200x16xf32, #tpu.memory_space<vmem>> -> memref<128x16xf32, #tpu.memory_space<vmem>>
    %dma_start3A_221 = arith.constant 0 : i32
    %dma_start3A_222 = tpu.memref_slice %arg7[%dma_start3A_217, %dma_start3A_221] : memref<25x128xi32, #tpu.memory_space<vmem>> -> memref<1x128xi32, #tpu.memory_space<vmem>>
    %dma_start3A_223 = tpu.memref_squeeze %dma_start3A_222 : memref<1x128xi32, #tpu.memory_space<vmem>> -> memref<128xi32, #tpu.memory_space<vmem>>
    %dma_start3A_224 = arith.constant 0 : i32
    %dma_start3A_225 = arith.constant 0 : i32
    %dma_start3A_226 = tpu.memref_slice %arg4[%dma_start3A_224, %dma_start3A_225] : memref<1000000x16xf32, #tpu.memory_space<hbm>> -> memref<1000000x16xf32, #tpu.memory_space<hbm>>
    tpu.enqueue_indirect_dma source(%dma_start3A_226 : memref<1000000x16xf32, #tpu.memory_space<hbm>>) target(%dma_start3A_220 : memref<128x16xf32, #tpu.memory_space<vmem>>) offsets(%dma_start3A_223 : memref<128xi32, #tpu.memory_space<vmem>>) semaphore(%arg9 : memref<!tpu.dma_semaphore, #tpu.memory_space<semaphore_mem>>)
    %dma_start3A_227 = arith.constant 22 : i32
    %dma_start3A_228 = arith.constant 2816 : i32
    %dma_start3A_229 = arith.constant 0 : i32
    %dma_start3A_230 = tpu.memref_slice %arg8[%dma_start3A_228, %dma_start3A_229] : memref<3200x16xf32, #tpu.memory_space<vmem>> -> memref<128x16xf32, #tpu.memory_space<vmem>>
    %dma_start3A_231 = arith.constant 0 : i32
    %dma_start3A_232 = tpu.memref_slice %arg7[%dma_start3A_227, %dma_start3A_231] : memref<25x128xi32, #tpu.memory_space<vmem>> -> memref<1x128xi32, #tpu.memory_space<vmem>>
    %dma_start3A_233 = tpu.memref_squeeze %dma_start3A_232 : memref<1x128xi32, #tpu.memory_space<vmem>> -> memref<128xi32, #tpu.memory_space<vmem>>
    %dma_start3A_234 = arith.constant 0 : i32
    %dma_start3A_235 = arith.constant 0 : i32
    %dma_start3A_236 = tpu.memref_slice %arg4[%dma_start3A_234, %dma_start3A_235] : memref<1000000x16xf32, #tpu.memory_space<hbm>> -> memref<1000000x16xf32, #tpu.memory_space<hbm>>
    tpu.enqueue_indirect_dma source(%dma_start3A_236 : memref<1000000x16xf32, #tpu.memory_space<hbm>>) target(%dma_start3A_230 : memref<128x16xf32, #tpu.memory_space<vmem>>) offsets(%dma_start3A_233 : memref<128xi32, #tpu.memory_space<vmem>>) semaphore(%arg9 : memref<!tpu.dma_semaphore, #tpu.memory_space<semaphore_mem>>)
    %dma_start3A_237 = arith.constant 23 : i32
    %dma_start3A_238 = arith.constant 2944 : i32
    %dma_start3A_239 = arith.constant 0 : i32
    %dma_start3A_240 = tpu.memref_slice %arg8[%dma_start3A_238, %dma_start3A_239] : memref<3200x16xf32, #tpu.memory_space<vmem>> -> memref<128x16xf32, #tpu.memory_space<vmem>>
    %dma_start3A_241 = arith.constant 0 : i32
    %dma_start3A_242 = tpu.memref_slice %arg7[%dma_start3A_237, %dma_start3A_241] : memref<25x128xi32, #tpu.memory_space<vmem>> -> memref<1x128xi32, #tpu.memory_space<vmem>>
    %dma_start3A_243 = tpu.memref_squeeze %dma_start3A_242 : memref<1x128xi32, #tpu.memory_space<vmem>> -> memref<128xi32, #tpu.memory_space<vmem>>
    %dma_start3A_244 = arith.constant 0 : i32
    %dma_start3A_245 = arith.constant 0 : i32
    %dma_start3A_246 = tpu.memref_slice %arg4[%dma_start3A_244, %dma_start3A_245] : memref<1000000x16xf32, #tpu.memory_space<hbm>> -> memref<1000000x16xf32, #tpu.memory_space<hbm>>
    tpu.enqueue_indirect_dma source(%dma_start3A_246 : memref<1000000x16xf32, #tpu.memory_space<hbm>>) target(%dma_start3A_240 : memref<128x16xf32, #tpu.memory_space<vmem>>) offsets(%dma_start3A_243 : memref<128xi32, #tpu.memory_space<vmem>>) semaphore(%arg9 : memref<!tpu.dma_semaphore, #tpu.memory_space<semaphore_mem>>)
    %dma_start3A_247 = arith.constant 24 : i32
    %dma_start3A_248 = arith.constant 3072 : i32
    %dma_start3A_249 = arith.constant 0 : i32
    %dma_start3A_250 = tpu.memref_slice %arg8[%dma_start3A_248, %dma_start3A_249] : memref<3200x16xf32, #tpu.memory_space<vmem>> -> memref<128x16xf32, #tpu.memory_space<vmem>>
    %dma_start3A_251 = arith.constant 0 : i32
    %dma_start3A_252 = tpu.memref_slice %arg7[%dma_start3A_247, %dma_start3A_251] : memref<25x128xi32, #tpu.memory_space<vmem>> -> memref<1x128xi32, #tpu.memory_space<vmem>>
    %dma_start3A_253 = tpu.memref_squeeze %dma_start3A_252 : memref<1x128xi32, #tpu.memory_space<vmem>> -> memref<128xi32, #tpu.memory_space<vmem>>
    %dma_start3A_254 = arith.constant 0 : i32
    %dma_start3A_255 = arith.constant 0 : i32
    %dma_start3A_256 = tpu.memref_slice %arg4[%dma_start3A_254, %dma_start3A_255] : memref<1000000x16xf32, #tpu.memory_space<hbm>> -> memref<1000000x16xf32, #tpu.memory_space<hbm>>
    tpu.enqueue_indirect_dma source(%dma_start3A_256 : memref<1000000x16xf32, #tpu.memory_space<hbm>>) target(%dma_start3A_250 : memref<128x16xf32, #tpu.memory_space<vmem>>) offsets(%dma_start3A_253 : memref<128xi32, #tpu.memory_space<vmem>>) semaphore(%arg9 : memref<!tpu.dma_semaphore, #tpu.memory_space<semaphore_mem>>)
    %dma_wait3A = arith.constant 0 : i32
    %dma_wait3A_257 = arith.constant 0 : i32
    %dma_wait3A_258 = arith.constant 0 : i32
    %dma_wait3A_259 = tpu.memref_slice %arg8[%dma_wait3A_257, %dma_wait3A_258] : memref<3200x16xf32, #tpu.memory_space<vmem>> -> memref<128x16xf32, #tpu.memory_space<vmem>>
    %dma_wait3A_260 = arith.constant 0 : i32
    %dma_wait3A_261 = tpu.memref_slice %arg7[%dma_wait3A, %dma_wait3A_260] : memref<25x128xi32, #tpu.memory_space<vmem>> -> memref<1x128xi32, #tpu.memory_space<vmem>>
    %dma_wait3A_262 = tpu.memref_squeeze %dma_wait3A_261 : memref<1x128xi32, #tpu.memory_space<vmem>> -> memref<128xi32, #tpu.memory_space<vmem>>
    %dma_wait3A_263 = arith.constant 0 : i32
    %dma_wait3A_264 = arith.constant 0 : i32
    %dma_wait3A_265 = tpu.memref_slice %arg4[%dma_wait3A_263, %dma_wait3A_264] : memref<1000000x16xf32, #tpu.memory_space<hbm>> -> memref<1000000x16xf32, #tpu.memory_space<hbm>>
    tpu.wait_indirect_dma semaphore(%arg9 : memref<!tpu.dma_semaphore, #tpu.memory_space<semaphore_mem>>) src(%dma_wait3A_265 : memref<1000000x16xf32, #tpu.memory_space<hbm>>) dst(%dma_wait3A_259 : memref<128x16xf32, #tpu.memory_space<vmem>>)
    %dma_wait3A_266 = arith.constant 1 : i32
    %dma_wait3A_267 = arith.constant 128 : i32
    %dma_wait3A_268 = arith.constant 0 : i32
    %dma_wait3A_269 = tpu.memref_slice %arg8[%dma_wait3A_267, %dma_wait3A_268] : memref<3200x16xf32, #tpu.memory_space<vmem>> -> memref<128x16xf32, #tpu.memory_space<vmem>>
    %dma_wait3A_270 = arith.constant 0 : i32
    %dma_wait3A_271 = tpu.memref_slice %arg7[%dma_wait3A_266, %dma_wait3A_270] : memref<25x128xi32, #tpu.memory_space<vmem>> -> memref<1x128xi32, #tpu.memory_space<vmem>>
    %dma_wait3A_272 = tpu.memref_squeeze %dma_wait3A_271 : memref<1x128xi32, #tpu.memory_space<vmem>> -> memref<128xi32, #tpu.memory_space<vmem>>
    %dma_wait3A_273 = arith.constant 0 : i32
    %dma_wait3A_274 = arith.constant 0 : i32
    %dma_wait3A_275 = tpu.memref_slice %arg4[%dma_wait3A_273, %dma_wait3A_274] : memref<1000000x16xf32, #tpu.memory_space<hbm>> -> memref<1000000x16xf32, #tpu.memory_space<hbm>>
    tpu.wait_indirect_dma semaphore(%arg9 : memref<!tpu.dma_semaphore, #tpu.memory_space<semaphore_mem>>) src(%dma_wait3A_275 : memref<1000000x16xf32, #tpu.memory_space<hbm>>) dst(%dma_wait3A_269 : memref<128x16xf32, #tpu.memory_space<vmem>>)
    %dma_wait3A_276 = arith.constant 2 : i32
    %dma_wait3A_277 = arith.constant 256 : i32
    %dma_wait3A_278 = arith.constant 0 : i32
    %dma_wait3A_279 = tpu.memref_slice %arg8[%dma_wait3A_277, %dma_wait3A_278] : memref<3200x16xf32, #tpu.memory_space<vmem>> -> memref<128x16xf32, #tpu.memory_space<vmem>>
    %dma_wait3A_280 = arith.constant 0 : i32
    %dma_wait3A_281 = tpu.memref_slice %arg7[%dma_wait3A_276, %dma_wait3A_280] : memref<25x128xi32, #tpu.memory_space<vmem>> -> memref<1x128xi32, #tpu.memory_space<vmem>>
    %dma_wait3A_282 = tpu.memref_squeeze %dma_wait3A_281 : memref<1x128xi32, #tpu.memory_space<vmem>> -> memref<128xi32, #tpu.memory_space<vmem>>
    %dma_wait3A_283 = arith.constant 0 : i32
    %dma_wait3A_284 = arith.constant 0 : i32
    %dma_wait3A_285 = tpu.memref_slice %arg4[%dma_wait3A_283, %dma_wait3A_284] : memref<1000000x16xf32, #tpu.memory_space<hbm>> -> memref<1000000x16xf32, #tpu.memory_space<hbm>>
    tpu.wait_indirect_dma semaphore(%arg9 : memref<!tpu.dma_semaphore, #tpu.memory_space<semaphore_mem>>) src(%dma_wait3A_285 : memref<1000000x16xf32, #tpu.memory_space<hbm>>) dst(%dma_wait3A_279 : memref<128x16xf32, #tpu.memory_space<vmem>>)
    %dma_wait3A_286 = arith.constant 3 : i32
    %dma_wait3A_287 = arith.constant 384 : i32
    %dma_wait3A_288 = arith.constant 0 : i32
    %dma_wait3A_289 = tpu.memref_slice %arg8[%dma_wait3A_287, %dma_wait3A_288] : memref<3200x16xf32, #tpu.memory_space<vmem>> -> memref<128x16xf32, #tpu.memory_space<vmem>>
    %dma_wait3A_290 = arith.constant 0 : i32
    %dma_wait3A_291 = tpu.memref_slice %arg7[%dma_wait3A_286, %dma_wait3A_290] : memref<25x128xi32, #tpu.memory_space<vmem>> -> memref<1x128xi32, #tpu.memory_space<vmem>>
    %dma_wait3A_292 = tpu.memref_squeeze %dma_wait3A_291 : memref<1x128xi32, #tpu.memory_space<vmem>> -> memref<128xi32, #tpu.memory_space<vmem>>
    %dma_wait3A_293 = arith.constant 0 : i32
    %dma_wait3A_294 = arith.constant 0 : i32
    %dma_wait3A_295 = tpu.memref_slice %arg4[%dma_wait3A_293, %dma_wait3A_294] : memref<1000000x16xf32, #tpu.memory_space<hbm>> -> memref<1000000x16xf32, #tpu.memory_space<hbm>>
    tpu.wait_indirect_dma semaphore(%arg9 : memref<!tpu.dma_semaphore, #tpu.memory_space<semaphore_mem>>) src(%dma_wait3A_295 : memref<1000000x16xf32, #tpu.memory_space<hbm>>) dst(%dma_wait3A_289 : memref<128x16xf32, #tpu.memory_space<vmem>>)
    %dma_wait3A_296 = arith.constant 4 : i32
    %dma_wait3A_297 = arith.constant 512 : i32
    %dma_wait3A_298 = arith.constant 0 : i32
    %dma_wait3A_299 = tpu.memref_slice %arg8[%dma_wait3A_297, %dma_wait3A_298] : memref<3200x16xf32, #tpu.memory_space<vmem>> -> memref<128x16xf32, #tpu.memory_space<vmem>>
    %dma_wait3A_300 = arith.constant 0 : i32
    %dma_wait3A_301 = tpu.memref_slice %arg7[%dma_wait3A_296, %dma_wait3A_300] : memref<25x128xi32, #tpu.memory_space<vmem>> -> memref<1x128xi32, #tpu.memory_space<vmem>>
    %dma_wait3A_302 = tpu.memref_squeeze %dma_wait3A_301 : memref<1x128xi32, #tpu.memory_space<vmem>> -> memref<128xi32, #tpu.memory_space<vmem>>
    %dma_wait3A_303 = arith.constant 0 : i32
    %dma_wait3A_304 = arith.constant 0 : i32
    %dma_wait3A_305 = tpu.memref_slice %arg4[%dma_wait3A_303, %dma_wait3A_304] : memref<1000000x16xf32, #tpu.memory_space<hbm>> -> memref<1000000x16xf32, #tpu.memory_space<hbm>>
    tpu.wait_indirect_dma semaphore(%arg9 : memref<!tpu.dma_semaphore, #tpu.memory_space<semaphore_mem>>) src(%dma_wait3A_305 : memref<1000000x16xf32, #tpu.memory_space<hbm>>) dst(%dma_wait3A_299 : memref<128x16xf32, #tpu.memory_space<vmem>>)
    %dma_wait3A_306 = arith.constant 5 : i32
    %dma_wait3A_307 = arith.constant 640 : i32
    %dma_wait3A_308 = arith.constant 0 : i32
    %dma_wait3A_309 = tpu.memref_slice %arg8[%dma_wait3A_307, %dma_wait3A_308] : memref<3200x16xf32, #tpu.memory_space<vmem>> -> memref<128x16xf32, #tpu.memory_space<vmem>>
    %dma_wait3A_310 = arith.constant 0 : i32
    %dma_wait3A_311 = tpu.memref_slice %arg7[%dma_wait3A_306, %dma_wait3A_310] : memref<25x128xi32, #tpu.memory_space<vmem>> -> memref<1x128xi32, #tpu.memory_space<vmem>>
    %dma_wait3A_312 = tpu.memref_squeeze %dma_wait3A_311 : memref<1x128xi32, #tpu.memory_space<vmem>> -> memref<128xi32, #tpu.memory_space<vmem>>
    %dma_wait3A_313 = arith.constant 0 : i32
    %dma_wait3A_314 = arith.constant 0 : i32
    %dma_wait3A_315 = tpu.memref_slice %arg4[%dma_wait3A_313, %dma_wait3A_314] : memref<1000000x16xf32, #tpu.memory_space<hbm>> -> memref<1000000x16xf32, #tpu.memory_space<hbm>>
    tpu.wait_indirect_dma semaphore(%arg9 : memref<!tpu.dma_semaphore, #tpu.memory_space<semaphore_mem>>) src(%dma_wait3A_315 : memref<1000000x16xf32, #tpu.memory_space<hbm>>) dst(%dma_wait3A_309 : memref<128x16xf32, #tpu.memory_space<vmem>>)
    %dma_wait3A_316 = arith.constant 6 : i32
    %dma_wait3A_317 = arith.constant 768 : i32
    %dma_wait3A_318 = arith.constant 0 : i32
    %dma_wait3A_319 = tpu.memref_slice %arg8[%dma_wait3A_317, %dma_wait3A_318] : memref<3200x16xf32, #tpu.memory_space<vmem>> -> memref<128x16xf32, #tpu.memory_space<vmem>>
    %dma_wait3A_320 = arith.constant 0 : i32
    %dma_wait3A_321 = tpu.memref_slice %arg7[%dma_wait3A_316, %dma_wait3A_320] : memref<25x128xi32, #tpu.memory_space<vmem>> -> memref<1x128xi32, #tpu.memory_space<vmem>>
    %dma_wait3A_322 = tpu.memref_squeeze %dma_wait3A_321 : memref<1x128xi32, #tpu.memory_space<vmem>> -> memref<128xi32, #tpu.memory_space<vmem>>
    %dma_wait3A_323 = arith.constant 0 : i32
    %dma_wait3A_324 = arith.constant 0 : i32
    %dma_wait3A_325 = tpu.memref_slice %arg4[%dma_wait3A_323, %dma_wait3A_324] : memref<1000000x16xf32, #tpu.memory_space<hbm>> -> memref<1000000x16xf32, #tpu.memory_space<hbm>>
    tpu.wait_indirect_dma semaphore(%arg9 : memref<!tpu.dma_semaphore, #tpu.memory_space<semaphore_mem>>) src(%dma_wait3A_325 : memref<1000000x16xf32, #tpu.memory_space<hbm>>) dst(%dma_wait3A_319 : memref<128x16xf32, #tpu.memory_space<vmem>>)
    %dma_wait3A_326 = arith.constant 7 : i32
    %dma_wait3A_327 = arith.constant 896 : i32
    %dma_wait3A_328 = arith.constant 0 : i32
    %dma_wait3A_329 = tpu.memref_slice %arg8[%dma_wait3A_327, %dma_wait3A_328] : memref<3200x16xf32, #tpu.memory_space<vmem>> -> memref<128x16xf32, #tpu.memory_space<vmem>>
    %dma_wait3A_330 = arith.constant 0 : i32
    %dma_wait3A_331 = tpu.memref_slice %arg7[%dma_wait3A_326, %dma_wait3A_330] : memref<25x128xi32, #tpu.memory_space<vmem>> -> memref<1x128xi32, #tpu.memory_space<vmem>>
    %dma_wait3A_332 = tpu.memref_squeeze %dma_wait3A_331 : memref<1x128xi32, #tpu.memory_space<vmem>> -> memref<128xi32, #tpu.memory_space<vmem>>
    %dma_wait3A_333 = arith.constant 0 : i32
    %dma_wait3A_334 = arith.constant 0 : i32
    %dma_wait3A_335 = tpu.memref_slice %arg4[%dma_wait3A_333, %dma_wait3A_334] : memref<1000000x16xf32, #tpu.memory_space<hbm>> -> memref<1000000x16xf32, #tpu.memory_space<hbm>>
    tpu.wait_indirect_dma semaphore(%arg9 : memref<!tpu.dma_semaphore, #tpu.memory_space<semaphore_mem>>) src(%dma_wait3A_335 : memref<1000000x16xf32, #tpu.memory_space<hbm>>) dst(%dma_wait3A_329 : memref<128x16xf32, #tpu.memory_space<vmem>>)
    %dma_wait3A_336 = arith.constant 8 : i32
    %dma_wait3A_337 = arith.constant 1024 : i32
    %dma_wait3A_338 = arith.constant 0 : i32
    %dma_wait3A_339 = tpu.memref_slice %arg8[%dma_wait3A_337, %dma_wait3A_338] : memref<3200x16xf32, #tpu.memory_space<vmem>> -> memref<128x16xf32, #tpu.memory_space<vmem>>
    %dma_wait3A_340 = arith.constant 0 : i32
    %dma_wait3A_341 = tpu.memref_slice %arg7[%dma_wait3A_336, %dma_wait3A_340] : memref<25x128xi32, #tpu.memory_space<vmem>> -> memref<1x128xi32, #tpu.memory_space<vmem>>
    %dma_wait3A_342 = tpu.memref_squeeze %dma_wait3A_341 : memref<1x128xi32, #tpu.memory_space<vmem>> -> memref<128xi32, #tpu.memory_space<vmem>>
    %dma_wait3A_343 = arith.constant 0 : i32
    %dma_wait3A_344 = arith.constant 0 : i32
    %dma_wait3A_345 = tpu.memref_slice %arg4[%dma_wait3A_343, %dma_wait3A_344] : memref<1000000x16xf32, #tpu.memory_space<hbm>> -> memref<1000000x16xf32, #tpu.memory_space<hbm>>
    tpu.wait_indirect_dma semaphore(%arg9 : memref<!tpu.dma_semaphore, #tpu.memory_space<semaphore_mem>>) src(%dma_wait3A_345 : memref<1000000x16xf32, #tpu.memory_space<hbm>>) dst(%dma_wait3A_339 : memref<128x16xf32, #tpu.memory_space<vmem>>)
    %dma_wait3A_346 = arith.constant 9 : i32
    %dma_wait3A_347 = arith.constant 1152 : i32
    %dma_wait3A_348 = arith.constant 0 : i32
    %dma_wait3A_349 = tpu.memref_slice %arg8[%dma_wait3A_347, %dma_wait3A_348] : memref<3200x16xf32, #tpu.memory_space<vmem>> -> memref<128x16xf32, #tpu.memory_space<vmem>>
    %dma_wait3A_350 = arith.constant 0 : i32
    %dma_wait3A_351 = tpu.memref_slice %arg7[%dma_wait3A_346, %dma_wait3A_350] : memref<25x128xi32, #tpu.memory_space<vmem>> -> memref<1x128xi32, #tpu.memory_space<vmem>>
    %dma_wait3A_352 = tpu.memref_squeeze %dma_wait3A_351 : memref<1x128xi32, #tpu.memory_space<vmem>> -> memref<128xi32, #tpu.memory_space<vmem>>
    %dma_wait3A_353 = arith.constant 0 : i32
    %dma_wait3A_354 = arith.constant 0 : i32
    %dma_wait3A_355 = tpu.memref_slice %arg4[%dma_wait3A_353, %dma_wait3A_354] : memref<1000000x16xf32, #tpu.memory_space<hbm>> -> memref<1000000x16xf32, #tpu.memory_space<hbm>>
    tpu.wait_indirect_dma semaphore(%arg9 : memref<!tpu.dma_semaphore, #tpu.memory_space<semaphore_mem>>) src(%dma_wait3A_355 : memref<1000000x16xf32, #tpu.memory_space<hbm>>) dst(%dma_wait3A_349 : memref<128x16xf32, #tpu.memory_space<vmem>>)
    %dma_wait3A_356 = arith.constant 10 : i32
    %dma_wait3A_357 = arith.constant 1280 : i32
    %dma_wait3A_358 = arith.constant 0 : i32
    %dma_wait3A_359 = tpu.memref_slice %arg8[%dma_wait3A_357, %dma_wait3A_358] : memref<3200x16xf32, #tpu.memory_space<vmem>> -> memref<128x16xf32, #tpu.memory_space<vmem>>
    %dma_wait3A_360 = arith.constant 0 : i32
    %dma_wait3A_361 = tpu.memref_slice %arg7[%dma_wait3A_356, %dma_wait3A_360] : memref<25x128xi32, #tpu.memory_space<vmem>> -> memref<1x128xi32, #tpu.memory_space<vmem>>
    %dma_wait3A_362 = tpu.memref_squeeze %dma_wait3A_361 : memref<1x128xi32, #tpu.memory_space<vmem>> -> memref<128xi32, #tpu.memory_space<vmem>>
    %dma_wait3A_363 = arith.constant 0 : i32
    %dma_wait3A_364 = arith.constant 0 : i32
    %dma_wait3A_365 = tpu.memref_slice %arg4[%dma_wait3A_363, %dma_wait3A_364] : memref<1000000x16xf32, #tpu.memory_space<hbm>> -> memref<1000000x16xf32, #tpu.memory_space<hbm>>
    tpu.wait_indirect_dma semaphore(%arg9 : memref<!tpu.dma_semaphore, #tpu.memory_space<semaphore_mem>>) src(%dma_wait3A_365 : memref<1000000x16xf32, #tpu.memory_space<hbm>>) dst(%dma_wait3A_359 : memref<128x16xf32, #tpu.memory_space<vmem>>)
    %dma_wait3A_366 = arith.constant 11 : i32
    %dma_wait3A_367 = arith.constant 1408 : i32
    %dma_wait3A_368 = arith.constant 0 : i32
    %dma_wait3A_369 = tpu.memref_slice %arg8[%dma_wait3A_367, %dma_wait3A_368] : memref<3200x16xf32, #tpu.memory_space<vmem>> -> memref<128x16xf32, #tpu.memory_space<vmem>>
    %dma_wait3A_370 = arith.constant 0 : i32
    %dma_wait3A_371 = tpu.memref_slice %arg7[%dma_wait3A_366, %dma_wait3A_370] : memref<25x128xi32, #tpu.memory_space<vmem>> -> memref<1x128xi32, #tpu.memory_space<vmem>>
    %dma_wait3A_372 = tpu.memref_squeeze %dma_wait3A_371 : memref<1x128xi32, #tpu.memory_space<vmem>> -> memref<128xi32, #tpu.memory_space<vmem>>
    %dma_wait3A_373 = arith.constant 0 : i32
    %dma_wait3A_374 = arith.constant 0 : i32
    %dma_wait3A_375 = tpu.memref_slice %arg4[%dma_wait3A_373, %dma_wait3A_374] : memref<1000000x16xf32, #tpu.memory_space<hbm>> -> memref<1000000x16xf32, #tpu.memory_space<hbm>>
    tpu.wait_indirect_dma semaphore(%arg9 : memref<!tpu.dma_semaphore, #tpu.memory_space<semaphore_mem>>) src(%dma_wait3A_375 : memref<1000000x16xf32, #tpu.memory_space<hbm>>) dst(%dma_wait3A_369 : memref<128x16xf32, #tpu.memory_space<vmem>>)
    %dma_wait3A_376 = arith.constant 12 : i32
    %dma_wait3A_377 = arith.constant 1536 : i32
    %dma_wait3A_378 = arith.constant 0 : i32
    %dma_wait3A_379 = tpu.memref_slice %arg8[%dma_wait3A_377, %dma_wait3A_378] : memref<3200x16xf32, #tpu.memory_space<vmem>> -> memref<128x16xf32, #tpu.memory_space<vmem>>
    %dma_wait3A_380 = arith.constant 0 : i32
    %dma_wait3A_381 = tpu.memref_slice %arg7[%dma_wait3A_376, %dma_wait3A_380] : memref<25x128xi32, #tpu.memory_space<vmem>> -> memref<1x128xi32, #tpu.memory_space<vmem>>
    %dma_wait3A_382 = tpu.memref_squeeze %dma_wait3A_381 : memref<1x128xi32, #tpu.memory_space<vmem>> -> memref<128xi32, #tpu.memory_space<vmem>>
    %dma_wait3A_383 = arith.constant 0 : i32
    %dma_wait3A_384 = arith.constant 0 : i32
    %dma_wait3A_385 = tpu.memref_slice %arg4[%dma_wait3A_383, %dma_wait3A_384] : memref<1000000x16xf32, #tpu.memory_space<hbm>> -> memref<1000000x16xf32, #tpu.memory_space<hbm>>
    tpu.wait_indirect_dma semaphore(%arg9 : memref<!tpu.dma_semaphore, #tpu.memory_space<semaphore_mem>>) src(%dma_wait3A_385 : memref<1000000x16xf32, #tpu.memory_space<hbm>>) dst(%dma_wait3A_379 : memref<128x16xf32, #tpu.memory_space<vmem>>)
    %dma_wait3A_386 = arith.constant 13 : i32
    %dma_wait3A_387 = arith.constant 1664 : i32
    %dma_wait3A_388 = arith.constant 0 : i32
    %dma_wait3A_389 = tpu.memref_slice %arg8[%dma_wait3A_387, %dma_wait3A_388] : memref<3200x16xf32, #tpu.memory_space<vmem>> -> memref<128x16xf32, #tpu.memory_space<vmem>>
    %dma_wait3A_390 = arith.constant 0 : i32
    %dma_wait3A_391 = tpu.memref_slice %arg7[%dma_wait3A_386, %dma_wait3A_390] : memref<25x128xi32, #tpu.memory_space<vmem>> -> memref<1x128xi32, #tpu.memory_space<vmem>>
    %dma_wait3A_392 = tpu.memref_squeeze %dma_wait3A_391 : memref<1x128xi32, #tpu.memory_space<vmem>> -> memref<128xi32, #tpu.memory_space<vmem>>
    %dma_wait3A_393 = arith.constant 0 : i32
    %dma_wait3A_394 = arith.constant 0 : i32
    %dma_wait3A_395 = tpu.memref_slice %arg4[%dma_wait3A_393, %dma_wait3A_394] : memref<1000000x16xf32, #tpu.memory_space<hbm>> -> memref<1000000x16xf32, #tpu.memory_space<hbm>>
    tpu.wait_indirect_dma semaphore(%arg9 : memref<!tpu.dma_semaphore, #tpu.memory_space<semaphore_mem>>) src(%dma_wait3A_395 : memref<1000000x16xf32, #tpu.memory_space<hbm>>) dst(%dma_wait3A_389 : memref<128x16xf32, #tpu.memory_space<vmem>>)
    %dma_wait3A_396 = arith.constant 14 : i32
    %dma_wait3A_397 = arith.constant 1792 : i32
    %dma_wait3A_398 = arith.constant 0 : i32
    %dma_wait3A_399 = tpu.memref_slice %arg8[%dma_wait3A_397, %dma_wait3A_398] : memref<3200x16xf32, #tpu.memory_space<vmem>> -> memref<128x16xf32, #tpu.memory_space<vmem>>
    %dma_wait3A_400 = arith.constant 0 : i32
    %dma_wait3A_401 = tpu.memref_slice %arg7[%dma_wait3A_396, %dma_wait3A_400] : memref<25x128xi32, #tpu.memory_space<vmem>> -> memref<1x128xi32, #tpu.memory_space<vmem>>
    %dma_wait3A_402 = tpu.memref_squeeze %dma_wait3A_401 : memref<1x128xi32, #tpu.memory_space<vmem>> -> memref<128xi32, #tpu.memory_space<vmem>>
    %dma_wait3A_403 = arith.constant 0 : i32
    %dma_wait3A_404 = arith.constant 0 : i32
    %dma_wait3A_405 = tpu.memref_slice %arg4[%dma_wait3A_403, %dma_wait3A_404] : memref<1000000x16xf32, #tpu.memory_space<hbm>> -> memref<1000000x16xf32, #tpu.memory_space<hbm>>
    tpu.wait_indirect_dma semaphore(%arg9 : memref<!tpu.dma_semaphore, #tpu.memory_space<semaphore_mem>>) src(%dma_wait3A_405 : memref<1000000x16xf32, #tpu.memory_space<hbm>>) dst(%dma_wait3A_399 : memref<128x16xf32, #tpu.memory_space<vmem>>)
    %dma_wait3A_406 = arith.constant 15 : i32
    %dma_wait3A_407 = arith.constant 1920 : i32
    %dma_wait3A_408 = arith.constant 0 : i32
    %dma_wait3A_409 = tpu.memref_slice %arg8[%dma_wait3A_407, %dma_wait3A_408] : memref<3200x16xf32, #tpu.memory_space<vmem>> -> memref<128x16xf32, #tpu.memory_space<vmem>>
    %dma_wait3A_410 = arith.constant 0 : i32
    %dma_wait3A_411 = tpu.memref_slice %arg7[%dma_wait3A_406, %dma_wait3A_410] : memref<25x128xi32, #tpu.memory_space<vmem>> -> memref<1x128xi32, #tpu.memory_space<vmem>>
    %dma_wait3A_412 = tpu.memref_squeeze %dma_wait3A_411 : memref<1x128xi32, #tpu.memory_space<vmem>> -> memref<128xi32, #tpu.memory_space<vmem>>
    %dma_wait3A_413 = arith.constant 0 : i32
    %dma_wait3A_414 = arith.constant 0 : i32
    %dma_wait3A_415 = tpu.memref_slice %arg4[%dma_wait3A_413, %dma_wait3A_414] : memref<1000000x16xf32, #tpu.memory_space<hbm>> -> memref<1000000x16xf32, #tpu.memory_space<hbm>>
    tpu.wait_indirect_dma semaphore(%arg9 : memref<!tpu.dma_semaphore, #tpu.memory_space<semaphore_mem>>) src(%dma_wait3A_415 : memref<1000000x16xf32, #tpu.memory_space<hbm>>) dst(%dma_wait3A_409 : memref<128x16xf32, #tpu.memory_space<vmem>>)
    %dma_wait3A_416 = arith.constant 16 : i32
    %dma_wait3A_417 = arith.constant 2048 : i32
    %dma_wait3A_418 = arith.constant 0 : i32
    %dma_wait3A_419 = tpu.memref_slice %arg8[%dma_wait3A_417, %dma_wait3A_418] : memref<3200x16xf32, #tpu.memory_space<vmem>> -> memref<128x16xf32, #tpu.memory_space<vmem>>
    %dma_wait3A_420 = arith.constant 0 : i32
    %dma_wait3A_421 = tpu.memref_slice %arg7[%dma_wait3A_416, %dma_wait3A_420] : memref<25x128xi32, #tpu.memory_space<vmem>> -> memref<1x128xi32, #tpu.memory_space<vmem>>
    %dma_wait3A_422 = tpu.memref_squeeze %dma_wait3A_421 : memref<1x128xi32, #tpu.memory_space<vmem>> -> memref<128xi32, #tpu.memory_space<vmem>>
    %dma_wait3A_423 = arith.constant 0 : i32
    %dma_wait3A_424 = arith.constant 0 : i32
    %dma_wait3A_425 = tpu.memref_slice %arg4[%dma_wait3A_423, %dma_wait3A_424] : memref<1000000x16xf32, #tpu.memory_space<hbm>> -> memref<1000000x16xf32, #tpu.memory_space<hbm>>
    tpu.wait_indirect_dma semaphore(%arg9 : memref<!tpu.dma_semaphore, #tpu.memory_space<semaphore_mem>>) src(%dma_wait3A_425 : memref<1000000x16xf32, #tpu.memory_space<hbm>>) dst(%dma_wait3A_419 : memref<128x16xf32, #tpu.memory_space<vmem>>)
    %dma_wait3A_426 = arith.constant 17 : i32
    %dma_wait3A_427 = arith.constant 2176 : i32
    %dma_wait3A_428 = arith.constant 0 : i32
    %dma_wait3A_429 = tpu.memref_slice %arg8[%dma_wait3A_427, %dma_wait3A_428] : memref<3200x16xf32, #tpu.memory_space<vmem>> -> memref<128x16xf32, #tpu.memory_space<vmem>>
    %dma_wait3A_430 = arith.constant 0 : i32
    %dma_wait3A_431 = tpu.memref_slice %arg7[%dma_wait3A_426, %dma_wait3A_430] : memref<25x128xi32, #tpu.memory_space<vmem>> -> memref<1x128xi32, #tpu.memory_space<vmem>>
    %dma_wait3A_432 = tpu.memref_squeeze %dma_wait3A_431 : memref<1x128xi32, #tpu.memory_space<vmem>> -> memref<128xi32, #tpu.memory_space<vmem>>
    %dma_wait3A_433 = arith.constant 0 : i32
    %dma_wait3A_434 = arith.constant 0 : i32
    %dma_wait3A_435 = tpu.memref_slice %arg4[%dma_wait3A_433, %dma_wait3A_434] : memref<1000000x16xf32, #tpu.memory_space<hbm>> -> memref<1000000x16xf32, #tpu.memory_space<hbm>>
    tpu.wait_indirect_dma semaphore(%arg9 : memref<!tpu.dma_semaphore, #tpu.memory_space<semaphore_mem>>) src(%dma_wait3A_435 : memref<1000000x16xf32, #tpu.memory_space<hbm>>) dst(%dma_wait3A_429 : memref<128x16xf32, #tpu.memory_space<vmem>>)
    %dma_wait3A_436 = arith.constant 18 : i32
    %dma_wait3A_437 = arith.constant 2304 : i32
    %dma_wait3A_438 = arith.constant 0 : i32
    %dma_wait3A_439 = tpu.memref_slice %arg8[%dma_wait3A_437, %dma_wait3A_438] : memref<3200x16xf32, #tpu.memory_space<vmem>> -> memref<128x16xf32, #tpu.memory_space<vmem>>
    %dma_wait3A_440 = arith.constant 0 : i32
    %dma_wait3A_441 = tpu.memref_slice %arg7[%dma_wait3A_436, %dma_wait3A_440] : memref<25x128xi32, #tpu.memory_space<vmem>> -> memref<1x128xi32, #tpu.memory_space<vmem>>
    %dma_wait3A_442 = tpu.memref_squeeze %dma_wait3A_441 : memref<1x128xi32, #tpu.memory_space<vmem>> -> memref<128xi32, #tpu.memory_space<vmem>>
    %dma_wait3A_443 = arith.constant 0 : i32
    %dma_wait3A_444 = arith.constant 0 : i32
    %dma_wait3A_445 = tpu.memref_slice %arg4[%dma_wait3A_443, %dma_wait3A_444] : memref<1000000x16xf32, #tpu.memory_space<hbm>> -> memref<1000000x16xf32, #tpu.memory_space<hbm>>
    tpu.wait_indirect_dma semaphore(%arg9 : memref<!tpu.dma_semaphore, #tpu.memory_space<semaphore_mem>>) src(%dma_wait3A_445 : memref<1000000x16xf32, #tpu.memory_space<hbm>>) dst(%dma_wait3A_439 : memref<128x16xf32, #tpu.memory_space<vmem>>)
    %dma_wait3A_446 = arith.constant 19 : i32
    %dma_wait3A_447 = arith.constant 2432 : i32
    %dma_wait3A_448 = arith.constant 0 : i32
    %dma_wait3A_449 = tpu.memref_slice %arg8[%dma_wait3A_447, %dma_wait3A_448] : memref<3200x16xf32, #tpu.memory_space<vmem>> -> memref<128x16xf32, #tpu.memory_space<vmem>>
    %dma_wait3A_450 = arith.constant 0 : i32
    %dma_wait3A_451 = tpu.memref_slice %arg7[%dma_wait3A_446, %dma_wait3A_450] : memref<25x128xi32, #tpu.memory_space<vmem>> -> memref<1x128xi32, #tpu.memory_space<vmem>>
    %dma_wait3A_452 = tpu.memref_squeeze %dma_wait3A_451 : memref<1x128xi32, #tpu.memory_space<vmem>> -> memref<128xi32, #tpu.memory_space<vmem>>
    %dma_wait3A_453 = arith.constant 0 : i32
    %dma_wait3A_454 = arith.constant 0 : i32
    %dma_wait3A_455 = tpu.memref_slice %arg4[%dma_wait3A_453, %dma_wait3A_454] : memref<1000000x16xf32, #tpu.memory_space<hbm>> -> memref<1000000x16xf32, #tpu.memory_space<hbm>>
    tpu.wait_indirect_dma semaphore(%arg9 : memref<!tpu.dma_semaphore, #tpu.memory_space<semaphore_mem>>) src(%dma_wait3A_455 : memref<1000000x16xf32, #tpu.memory_space<hbm>>) dst(%dma_wait3A_449 : memref<128x16xf32, #tpu.memory_space<vmem>>)
    %dma_wait3A_456 = arith.constant 20 : i32
    %dma_wait3A_457 = arith.constant 2560 : i32
    %dma_wait3A_458 = arith.constant 0 : i32
    %dma_wait3A_459 = tpu.memref_slice %arg8[%dma_wait3A_457, %dma_wait3A_458] : memref<3200x16xf32, #tpu.memory_space<vmem>> -> memref<128x16xf32, #tpu.memory_space<vmem>>
    %dma_wait3A_460 = arith.constant 0 : i32
    %dma_wait3A_461 = tpu.memref_slice %arg7[%dma_wait3A_456, %dma_wait3A_460] : memref<25x128xi32, #tpu.memory_space<vmem>> -> memref<1x128xi32, #tpu.memory_space<vmem>>
    %dma_wait3A_462 = tpu.memref_squeeze %dma_wait3A_461 : memref<1x128xi32, #tpu.memory_space<vmem>> -> memref<128xi32, #tpu.memory_space<vmem>>
    %dma_wait3A_463 = arith.constant 0 : i32
    %dma_wait3A_464 = arith.constant 0 : i32
    %dma_wait3A_465 = tpu.memref_slice %arg4[%dma_wait3A_463, %dma_wait3A_464] : memref<1000000x16xf32, #tpu.memory_space<hbm>> -> memref<1000000x16xf32, #tpu.memory_space<hbm>>
    tpu.wait_indirect_dma semaphore(%arg9 : memref<!tpu.dma_semaphore, #tpu.memory_space<semaphore_mem>>) src(%dma_wait3A_465 : memref<1000000x16xf32, #tpu.memory_space<hbm>>) dst(%dma_wait3A_459 : memref<128x16xf32, #tpu.memory_space<vmem>>)
    %dma_wait3A_466 = arith.constant 21 : i32
    %dma_wait3A_467 = arith.constant 2688 : i32
    %dma_wait3A_468 = arith.constant 0 : i32
    %dma_wait3A_469 = tpu.memref_slice %arg8[%dma_wait3A_467, %dma_wait3A_468] : memref<3200x16xf32, #tpu.memory_space<vmem>> -> memref<128x16xf32, #tpu.memory_space<vmem>>
    %dma_wait3A_470 = arith.constant 0 : i32
    %dma_wait3A_471 = tpu.memref_slice %arg7[%dma_wait3A_466, %dma_wait3A_470] : memref<25x128xi32, #tpu.memory_space<vmem>> -> memref<1x128xi32, #tpu.memory_space<vmem>>
    %dma_wait3A_472 = tpu.memref_squeeze %dma_wait3A_471 : memref<1x128xi32, #tpu.memory_space<vmem>> -> memref<128xi32, #tpu.memory_space<vmem>>
    %dma_wait3A_473 = arith.constant 0 : i32
    %dma_wait3A_474 = arith.constant 0 : i32
    %dma_wait3A_475 = tpu.memref_slice %arg4[%dma_wait3A_473, %dma_wait3A_474] : memref<1000000x16xf32, #tpu.memory_space<hbm>> -> memref<1000000x16xf32, #tpu.memory_space<hbm>>
    tpu.wait_indirect_dma semaphore(%arg9 : memref<!tpu.dma_semaphore, #tpu.memory_space<semaphore_mem>>) src(%dma_wait3A_475 : memref<1000000x16xf32, #tpu.memory_space<hbm>>) dst(%dma_wait3A_469 : memref<128x16xf32, #tpu.memory_space<vmem>>)
    %dma_wait3A_476 = arith.constant 22 : i32
    %dma_wait3A_477 = arith.constant 2816 : i32
    %dma_wait3A_478 = arith.constant 0 : i32
    %dma_wait3A_479 = tpu.memref_slice %arg8[%dma_wait3A_477, %dma_wait3A_478] : memref<3200x16xf32, #tpu.memory_space<vmem>> -> memref<128x16xf32, #tpu.memory_space<vmem>>
    %dma_wait3A_480 = arith.constant 0 : i32
    %dma_wait3A_481 = tpu.memref_slice %arg7[%dma_wait3A_476, %dma_wait3A_480] : memref<25x128xi32, #tpu.memory_space<vmem>> -> memref<1x128xi32, #tpu.memory_space<vmem>>
    %dma_wait3A_482 = tpu.memref_squeeze %dma_wait3A_481 : memref<1x128xi32, #tpu.memory_space<vmem>> -> memref<128xi32, #tpu.memory_space<vmem>>
    %dma_wait3A_483 = arith.constant 0 : i32
    %dma_wait3A_484 = arith.constant 0 : i32
    %dma_wait3A_485 = tpu.memref_slice %arg4[%dma_wait3A_483, %dma_wait3A_484] : memref<1000000x16xf32, #tpu.memory_space<hbm>> -> memref<1000000x16xf32, #tpu.memory_space<hbm>>
    tpu.wait_indirect_dma semaphore(%arg9 : memref<!tpu.dma_semaphore, #tpu.memory_space<semaphore_mem>>) src(%dma_wait3A_485 : memref<1000000x16xf32, #tpu.memory_space<hbm>>) dst(%dma_wait3A_479 : memref<128x16xf32, #tpu.memory_space<vmem>>)
    %dma_wait3A_486 = arith.constant 23 : i32
    %dma_wait3A_487 = arith.constant 2944 : i32
    %dma_wait3A_488 = arith.constant 0 : i32
    %dma_wait3A_489 = tpu.memref_slice %arg8[%dma_wait3A_487, %dma_wait3A_488] : memref<3200x16xf32, #tpu.memory_space<vmem>> -> memref<128x16xf32, #tpu.memory_space<vmem>>
    %dma_wait3A_490 = arith.constant 0 : i32
    %dma_wait3A_491 = tpu.memref_slice %arg7[%dma_wait3A_486, %dma_wait3A_490] : memref<25x128xi32, #tpu.memory_space<vmem>> -> memref<1x128xi32, #tpu.memory_space<vmem>>
    %dma_wait3A_492 = tpu.memref_squeeze %dma_wait3A_491 : memref<1x128xi32, #tpu.memory_space<vmem>> -> memref<128xi32, #tpu.memory_space<vmem>>
    %dma_wait3A_493 = arith.constant 0 : i32
    %dma_wait3A_494 = arith.constant 0 : i32
    %dma_wait3A_495 = tpu.memref_slice %arg4[%dma_wait3A_493, %dma_wait3A_494] : memref<1000000x16xf32, #tpu.memory_space<hbm>> -> memref<1000000x16xf32, #tpu.memory_space<hbm>>
    tpu.wait_indirect_dma semaphore(%arg9 : memref<!tpu.dma_semaphore, #tpu.memory_space<semaphore_mem>>) src(%dma_wait3A_495 : memref<1000000x16xf32, #tpu.memory_space<hbm>>) dst(%dma_wait3A_489 : memref<128x16xf32, #tpu.memory_space<vmem>>)
    %dma_wait3A_496 = arith.constant 24 : i32
    %dma_wait3A_497 = arith.constant 3072 : i32
    %dma_wait3A_498 = arith.constant 0 : i32
    %dma_wait3A_499 = tpu.memref_slice %arg8[%dma_wait3A_497, %dma_wait3A_498] : memref<3200x16xf32, #tpu.memory_space<vmem>> -> memref<128x16xf32, #tpu.memory_space<vmem>>
    %dma_wait3A_500 = arith.constant 0 : i32
    %dma_wait3A_501 = tpu.memref_slice %arg7[%dma_wait3A_496, %dma_wait3A_500] : memref<25x128xi32, #tpu.memory_space<vmem>> -> memref<1x128xi32, #tpu.memory_space<vmem>>
    %dma_wait3A_502 = tpu.memref_squeeze %dma_wait3A_501 : memref<1x128xi32, #tpu.memory_space<vmem>> -> memref<128xi32, #tpu.memory_space<vmem>>
    %dma_wait3A_503 = arith.constant 0 : i32
    %dma_wait3A_504 = arith.constant 0 : i32
    %dma_wait3A_505 = tpu.memref_slice %arg4[%dma_wait3A_503, %dma_wait3A_504] : memref<1000000x16xf32, #tpu.memory_space<hbm>> -> memref<1000000x16xf32, #tpu.memory_space<hbm>>
    tpu.wait_indirect_dma semaphore(%arg9 : memref<!tpu.dma_semaphore, #tpu.memory_space<semaphore_mem>>) src(%dma_wait3A_505 : memref<1000000x16xf32, #tpu.memory_space<hbm>>) dst(%dma_wait3A_499 : memref<128x16xf32, #tpu.memory_space<vmem>>)
    %convert_element_type3A_506 = arith.extui %lt3A_1 : i1 to i32
    %cond3A_507 = arith.constant 0 : i32
    %cond3A_508 = arith.cmpi ne, %convert_element_type3A_506, %cond3A_507 : i32
    scf.if %cond3A_508 {
      %mul3A_514 = arith.constant 3200 : i32
      %mul3A_515 = arith.muli %select_n3A, %mul3A_514 : i32
      "tpu.region"() ({
        %run_scoped3A = tpu.sem_alloc : memref<!tpu.dma_semaphore, #tpu.memory_space<semaphore_mem>>
        %dma_start3A_516 = arith.constant 0 : i32
        %dma_start3A_517 = tpu.memref_slice %arg5[%mul3A_515, %dma_start3A_516] : memref<51200x16xf32, #tpu.memory_space<hbm>> -> memref<3200x16xf32, #tpu.memory_space<hbm>>
        %dma_start3A_518 = arith.constant 0 : i32
        %dma_start3A_519 = tpu.memref_slice %arg5[%mul3A_515, %dma_start3A_518] : memref<51200x16xf32, #tpu.memory_space<hbm>> -> memref<3200x16xf32, #tpu.memory_space<hbm>>
        tpu.enqueue_dma source(%arg8 : memref<3200x16xf32, #tpu.memory_space<vmem>>) target(%dma_start3A_519 : memref<3200x16xf32, #tpu.memory_space<hbm>>) target_semaphore(%run_scoped3A : memref<!tpu.dma_semaphore, #tpu.memory_space<semaphore_mem>>)
        %dma_wait3A_520 = arith.constant 0 : i32
        %dma_wait3A_521 = tpu.memref_slice %arg5[%mul3A_515, %dma_wait3A_520] : memref<51200x16xf32, #tpu.memory_space<hbm>> -> memref<3200x16xf32, #tpu.memory_space<hbm>>
        %dma_wait3A_522 = arith.constant 0 : i32
        %dma_wait3A_523 = tpu.memref_slice %arg5[%mul3A_515, %dma_wait3A_522] : memref<51200x16xf32, #tpu.memory_space<hbm>> -> memref<3200x16xf32, #tpu.memory_space<hbm>>
        tpu.wait_dma2 semaphore(%run_scoped3A : memref<!tpu.dma_semaphore, #tpu.memory_space<semaphore_mem>>) src(%arg8 : memref<3200x16xf32, #tpu.memory_space<vmem>>) dst(%dma_wait3A_523 : memref<3200x16xf32, #tpu.memory_space<hbm>>)
        tpu.yield
      }) : () -> ()
    } else {
    }
    %not3A_509 = arith.constant true
    %not3A_510 = arith.xori %lt3A_1, %not3A_509 : i1
    %convert_element_type3A_511 = arith.extui %not3A_510 : i1 to i32
    %cond3A_512 = arith.constant 0 : i32
    %cond3A_513 = arith.cmpi ne, %convert_element_type3A_511, %cond3A_512 : i32
    scf.if %cond3A_513 {
      %mul3A_514 = arith.constant 3200 : i32
      %mul3A_515 = arith.muli %select_n3A, %mul3A_514 : i32
      "tpu.region"() ({
        %run_scoped3A = tpu.sem_alloc : memref<!tpu.dma_semaphore, #tpu.memory_space<semaphore_mem>>
        %dma_start3A_516 = arith.constant 0 : i32
        %dma_start3A_517 = tpu.memref_slice %arg6[%mul3A_515, %dma_start3A_516] : memref<51200x16xf32, #tpu.memory_space<hbm>> -> memref<3200x16xf32, #tpu.memory_space<hbm>>
        %dma_start3A_518 = arith.constant 0 : i32
        %dma_start3A_519 = tpu.memref_slice %arg6[%mul3A_515, %dma_start3A_518] : memref<51200x16xf32, #tpu.memory_space<hbm>> -> memref<3200x16xf32, #tpu.memory_space<hbm>>
        tpu.enqueue_dma source(%arg8 : memref<3200x16xf32, #tpu.memory_space<vmem>>) target(%dma_start3A_519 : memref<3200x16xf32, #tpu.memory_space<hbm>>) target_semaphore(%run_scoped3A : memref<!tpu.dma_semaphore, #tpu.memory_space<semaphore_mem>>)
        %dma_wait3A_520 = arith.constant 0 : i32
        %dma_wait3A_521 = tpu.memref_slice %arg6[%mul3A_515, %dma_wait3A_520] : memref<51200x16xf32, #tpu.memory_space<hbm>> -> memref<3200x16xf32, #tpu.memory_space<hbm>>
        %dma_wait3A_522 = arith.constant 0 : i32
        %dma_wait3A_523 = tpu.memref_slice %arg6[%mul3A_515, %dma_wait3A_522] : memref<51200x16xf32, #tpu.memory_space<hbm>> -> memref<3200x16xf32, #tpu.memory_space<hbm>>
        tpu.wait_dma2 semaphore(%run_scoped3A : memref<!tpu.dma_semaphore, #tpu.memory_space<semaphore_mem>>) src(%arg8 : memref<3200x16xf32, #tpu.memory_space<vmem>>) dst(%dma_wait3A_523 : memref<3200x16xf32, #tpu.memory_space<hbm>>)
        tpu.yield
      }) : () -> ()
    } else {
    }
    return
  }
}

</mosaic_0001>

<sc_bundles>
// kernel: kernel.3.cloned.1.call-start
scs
__scs_entry_jumppad:
0x0: {  	(pc) =	sbr.rel $0x88, $3  }
0x1: {  	(tag) =	ssettag $0x0;
	lr =	simm.s32 $0x1  }
0x2: {  	[smem:$0x3F9E] =	sst lr;
	_ =	strace $0xD0000000  }
0x3: {  	_ = 	snop  }
0x4: {  	_ = 	snop  }
0x5: {  	_ = 	snop  }
0x6: {  	_ = 	snop  }
0x7: {  	_ = 	snop  }
__scs_overlays_trampoline_lowered:
0x8: {  	[smem:$0x3FAD] =	sst s0  }
0x9: {  	[smem:$0x3FAE] =	sst s1  }
0xa: {  	[smem:$0x3FAF] =	sst s2  }
0xb: {  	[smem:$0x3FB0] =	sst s3  }
0xc: {  	[smem:$0x3FB1] =	sst s4  }
0xd: {  	[smem:$0x3FB2] =	sst s5  }
0xe: {  	[smem:$0x3FB3] =	sst s6  }
0xf: {  	[smem:$0x3FB4] =	sst s7  }
0x10: {  	[smem:$0x3FB5] =	sst s8  }
0x11: {  	[smem:$0x3FB6] =	sst s9;
	s0 =	simm.s32 @!p0 $0x0  }
0x12: {  	s1 =	sld [smem:$0x3F9C];
	s0 =	simm.s32 @p0 $0x1  }
0x13: {  	[smem:$0x3FB7] =	sst s0;
	s0 =	simm.s32 @!p1 $0x0  }
0x14: {  	s2 =	sld [smem:$0x3F9B];
	s0 =	simm.s32 @p1 $0x1  }
0x15: {  	[smem:$0x3FB8] =	sst s0;
	s0 =	simm.s32 @!p2 $0x0  }
0x16: {  	s3 =	sld [smem:$0x3FDB];
	s0 =	simm.s32 @p2 $0x1  }
0x17: {  	s4 =	simm.s32 $0x1BF5;
	[smem:$0x3FBA] =	sst s0  }
0x18: {  	s0 =	sld [smem:$0x3F9D];
	_ =	swait.ge [sflag:s4], $0x0  }
0x19: {  	s7 =	sld [smem:$0x3F9E]  }
0x1a: {  	s8 =	sadd.s32 $0xFFFFE003, lr  }
0x1b: {  	s9 =	sadd.s32 $0xFFFFFEF7, lr;
	s5 =	simm.s32 $0xFFFFFFFF;
	p2 =	slt.u32 s8, $0xFFFFF086  }
0x1c: {  	p1 =	slt.u32 s9, $0xF7A;
	s5 =	simm.s32 @!p2 $0x0  }
0x1d: {  	s5 =	simm.s32 @p1 $0x1;
	p0 =	seq.s32 s7, s2  }
0x1e: {  	s7 =	smul.u32 @!p0 $0xF7A, s2;
	p2 =	seq.s32 @!p0 s5, $0x0  }
0x1f: {  	s9 =	smul.u32 $0xF7A, s1;
	s8 =	simm.s32 @!p0 $0x1BF5;
	p2 =	por !p2, p0  }
0x20: {  	[sflag:s8] =	ssyncset.s32 @!p0 $0xFFFFF086;
	s6 =	sadd.s32 @!p0 s3, s7;
	s7 =	simm.s32 @!p0 $0x108  }
0x21: {  	s3 =	sadd.s32 s3, s9;
	s6 =	sadd.s32 @!p0 $0x88, s6;
	s7 =	simm.s32 @p2 $0x1082  }
0x22: {  	[simem:s7], [sflag:s8] =	dma.local @!p0 [hbm:s6], $0xF7A  }
0x23: {  	s9 =	sor.u32 $0xD0000000, s2;
	s6 =	simm.s32 $0x108;
	_ =	swait.ge @!p0 [sflag:s8], $0x0  }
0x24: {  	s3 =	sadd.s32 $0x88, s3;
	s6 =	simm.s32 @!p1 $0x1082;
	[sflag:s4] =	ssyncset.s32 $0xFFFFF086  }
0x25: {  	[simem:s6], [sflag:s4] =	dma.local [hbm:s3], $0xF7A  }
0x26: {  	[smem:$0x3F9E] =	sst s1;
	(tag) =	ssettag s2;
	_ =	strace s9  }
0x27: {  	s1 =	sld [smem:$0x3FAE]  }
0x28: {  	s2 =	sld [smem:$0x3FAF]  }
0x29: {  	s4 =	sld [smem:$0x3FB1]  }
0x2a: {  	p0 =	seq.s32 s5, $0x0;
	s5 =	sld [smem:$0x3FB2]  }
0x2b: {  	s6 =	sld [smem:$0x3FB3]  }
0x2c: {  	s7 =	sld [smem:$0x3FB4]  }
0x2d: {  	s3 =	simm.s32 $0x108;
	s8 =	sld [smem:$0x3FB5]  }
0x2e: {  	s3 =	simm.s32 @!p0 $0x1082;
	s9 =	sld [smem:$0x3FB6]  }
0x2f: {  	lr =	sadd.s32 s0, s3;
	s0 =	sld [smem:$0x3FAD]  }
0x30: {  	s3 =	sld [smem:$0x3FB0]  }
0x31: {  	[smem:$0x3FB9] =	sst s10  }
0x32: {  	s10 =	sld [smem:$0x3FB7];
	_ =	sdelay $0x3  }
0x33: {  	p0 =	seq.s32 s10, $0x1;
	s10 =	sld [smem:$0x3FB9];
	_ =	sdelay $0x3  }
0x34: {  	[smem:$0x3FB9] =	sst s10  }
0x35: {  	s10 =	sld [smem:$0x3FB8];
	_ =	sdelay $0x3  }
0x36: {  	p1 =	seq.s32 s10, $0x1;
	s10 =	sld [smem:$0x3FB9];
	_ =	sdelay $0x3  }
0x37: {  	[smem:$0x3FB9] =	sst s10  }
0x38: {  	s10 =	sld [smem:$0x3FBA]  }
0x39: {  	_ = 	snop;
	(pc) =	sbr.ind lr, $3  }
0x3a: {  	_ = 	snop  }
0x3b: {  	_ = 	snop  }
0x3c: {  	p2 =	seq.s32 s10, $0x1;
	s10 =	sld [smem:$0x3FB9]  }
0x3d: {  	_ =	shalt  }
0x3e: {  	_ =	shalt  }
0x3f: {  	_ =	shalt  }
0x40: {  	_ =	shalt  }
0x41: {  	_ =	shalt  }
0x42: {  	_ =	shalt  }
0x43: {  	_ =	shalt  }
0x44: {  	_ =	shalt  }
0x45: {  	_ =	shalt  }
0x46: {  	_ =	shalt  }
0x47: {  	_ =	shalt  }
0x48: {  	_ =	shalt  }
0x49: {  	_ =	shalt  }
0x4a: {  	_ =	shalt  }
0x4b: {  	_ =	shalt  }
0x4c: {  	_ =	shalt  }
0x4d: {  	_ =	shalt  }
0x4e: {  	_ =	shalt  }
0x4f: {  	_ =	shalt  }
0x50: {  	_ =	shalt  }
0x51: {  	_ =	shalt  }
0x52: {  	_ =	shalt  }
0x53: {  	_ =	shalt  }
0x54: {  	_ =	shalt  }
0x55: {  	_ =	shalt  }
0x56: {  	_ =	shalt  }
0x57: {  	_ =	shalt  }
0x58: {  	_ =	shalt  }
0x59: {  	_ =	shalt  }
0x5a: {  	_ =	shalt  }
0x5b: {  	_ =	shalt  }
0x5c: {  	_ =	shalt  }
0x5d: {  	_ =	shalt  }
0x5e: {  	_ =	shalt  }
0x5f: {  	_ =	shalt  }
0x60: {  	_ =	shalt  }
0x61: {  	_ =	shalt  }
0x62: {  	_ =	shalt  }
0x63: {  	_ =	shalt  }
0x64: {  	_ =	shalt  }
0x65: {  	_ =	shalt  }
0x66: {  	_ =	shalt  }
0x67: {  	_ =	shalt  }
0x68: {  	_ =	shalt  }
0x69: {  	_ =	shalt  }
0x6a: {  	_ =	shalt  }
0x6b: {  	_ =	shalt  }
0x6c: {  	_ =	shalt  }
0x6d: {  	_ =	shalt  }
0x6e: {  	_ =	shalt  }
0x6f: {  	_ =	shalt  }
0x70: {  	_ =	shalt  }
0x71: {  	_ =	shalt  }
0x72: {  	_ =	shalt  }
0x73: {  	_ =	shalt  }
0x74: {  	_ =	shalt  }
0x75: {  	_ =	shalt  }
0x76: {  	_ =	shalt  }
0x77: {  	_ =	shalt  }
0x78: {  	_ =	shalt  }
0x79: {  	_ =	shalt  }
0x7a: {  	_ =	shalt  }
0x7b: {  	_ =	shalt  }
0x7c: {  	_ =	shalt  }
0x7d: {  	_ =	shalt  }
0x7e: {  	_ =	shalt  }
0x7f: {  	_ =	shalt  }
0x80: {  	_ =	shalt  }
0x81: {  	_ =	shalt  }
0x82: {  	_ =	shalt  }
0x83: {  	_ =	shalt  }
0x84: {  	_ =	shalt  }
0x85: {  	_ =	shalt  }
0x86: {  	_ =	shalt  }
0x87: {  	_ =	shalt  }
.Lfunc_end0:
.L_simem_size_0:
called_computation_lowered:
.L_overlay_start_0:
0x88: {  	s2 =	sld [smem:$0x3FD9]  }
0x89: {  	s3 =	sld [smem:$0x3FFE];
	_ =	sdelay $0x1  }
0x8a: {  	s1 =	srdreg.scid  }
0x8b: {  	s0 =	sand.u32 $0x1, s1  }
0x8c: {  	s14 =	sshll.u32 s0, $0xA;
	s2 =	sadd.s32 s3, s2  }
0x8d: {  	s2 =	sadd.s32 s2, s14  }
0x8e: {  	[smem:$0x3FC5] =	sst s2  }
0x8f: {  	_ = 	snop  }
0x90: {  	s2 =	sld [smem:$0x3FD0];
	_ =	sdelay $0x2  }
0x91: {  	s15 =	simm.s32 $0xA;
	s4 =	simm.s32 $0x10  }
0x92: {  	[smem:s4], [sflag:s15] =	dma.local [hbm:s2], $0x1  }
0x93: {  	_ =	swait.eq [sflag:s15], $0x1  }
0x94: {  	[sflag:s15] =	ssyncset.done $0x0  }
0x95: {  	s16 =	sld [smem:$0x10];
	[sflag:s15] =	ssyncadd.s32 $0xFFFFFFFF  }
0x96: {  	s17 =	sld [smem:$0x11];
	(tm) =	ssettm $0x1  }
0x97: {  	s18 =	sld [smem:$0x3FFB];
	_ =	sdelay $0x3  }
0x98: {  	_ =	strace s18  }
0x99: {  	s4 =	sld [smem:$0x3FFC];
	_ =	sdelay $0x3  }
0x9a: {  	_ =	strace s4  }
0x9b: {  	s4 =	sld [smem:$0x3FFD];
	_ =	sdelay $0x3  }
0x9c: {  	_ =	strace s4  }
0x9d: {  	_ =	strace $0x8FFFFFFF  }
0x9e: {  	s19 =	sld [smem:$0x3FDB];
	_ =	sdelay $0x1  }
0x9f: {  	s5 =	simm.s32 $_scs_section_size  }
0xa0: {  	s6 =	simm.s32 $_size__tile_overlayer_lowered;
	s7 =	simm.s32 $_tile_overlayer_lowered  }
0xa1: {  	s22 =	simm.s32 $0x1BFF;
	s21 =	sshll.u32 s7, $0x1;
	s4 =	sadd.s32 s5, s19  }
0xa2: {  	s8 =	simm.s32 $0x0;
	s20 =	sshll.u32 s6, $0x1;
	s6 =	sadd.s32 s21, s4  }
0xa3: {  	[timem:s8], [sflag:s22] =	dma.local [hbm:s6], s20  }
0xa4: {  	_ =	swait.ge [sflag:s22], s20  }
0xa5: {  	s5 =	ssub.s32 $0x0, s20;
	[sflag:s22] =	ssyncset.done $0x0  }
0xa6: {  	[sflag:s22] =	ssyncadd.s32 s5;
	_ =	sdelay $0x1  }
0xa7: {  	s23 =	simm.s32 $0x1B8B  }
0xa8: {  	_ =	swait.ge [sflag:s23], $0x1  }
0xa9: {  	[sflag:s23] =	ssyncset.done $0x0  }
0xaa: {  	s25 =	simm.s32 $0x1B8E;
	s24 =	sld [smem:$0x3FFE];
	[sflag:s23] =	ssyncadd.s32 $0xFFFFFFFF  }
0xab: {  	s26 =	simm.s32 $execute0_lowered;
	[smem:$0x3FD2] =	sst s25  }
0xac: {  	s6 =	sshll.u32 s26, $0x1;
	_ =	strace $0x80000046;
	[dreg:$0x1] =	wrdreg $0xFFFFFFFF  }
0xad: {  	s28 =	simm.s32 $_size_execute0_lowered;
	s4 =	sadd.s32 s4, s6;
	[dreg:$0x0] =	wrdreg $0x0  }
0xae: {  	s6 =	sshll.u32 s28, $0x1;
	[dreg:$0x2] =	wrdreg s4  }
0xaf: {  	[dreg:$0x3] =	wrdreg s6  }
0xb0: {  	[dreg:$0x4] =	wrdreg $0xC0  }
0xb1: {  	_ =	task [dreg:s8], $0x5FFFF  }
0xb2: {  	[dreg:$0x1] =	wrdreg $0xFFFFFFFF  }
0xb3: {  	[dreg:$0x0] =	wrdreg $0x60  }
0xb4: {  	[dreg:$0x2] =	wrdreg s16  }
0xb5: {  	[dreg:$0x3] =	wrdreg s24  }
0xb6: {  	[dreg:$0x4] =	wrdreg s17  }
0xb7: {  	[dreg:$0x5] =	wrdreg $0x9  }
0xb8: {  	_ =	task.clear_ibuf [dreg:s8], $0x6FFFF;
	_ =	strace $0x90000046  }
0xb9: {  	s29 =	simm.s32 $0x9;
	_ =	strace $0x80000048  }
0xba: {  	_ =	swait.ge [sflag:s29], $0x1  }
0xbb: {  	[sflag:s29] =	ssyncadd.s32 $0xFFFFFFFF  }
0xbc: {  	_ =	strace $0x90000048  }
0xbd: {  	_ =	sfence  }
0xbe: {  	s30 =	sld [smem:$0x0];
	_ =	sdelay $0x2  }
0xbf: {  	s31 =	sshll.u32 s1, $0xD;
	s1 =	sshrl.u32 s1, $0x2  }
0xc0: {  	s3 =	sand.u32 $0x4000, s31;
	s1 =	sadd.s32 s1, s30  }
0xc1: {  	s0 =	sor.u32 s3, s0;
	s1 =	sshll.u32 s1, $0x11  }
0xc2: {  	s0 =	sor.u32 s1, s0  }
0xc3: {  	s0 =	sadd.s32 $0x8F2B, s0  }
0xc4: {  	[sflag:s0] =	ssyncadd.remote.s32 $0x1  }
0xc5: {  	_ =	sfence.sel $0xFFFF  }
0xc6: {  	[dreg:$0x0] =	wrdreg $0xFFFFFFFF;
	(pc) =	sbr.abs _section_cstart, $3  }
0xc7: {  	[dreg:$0x1] =	wrdreg $0xFFFFFFFF  }
0xc8: {  	_ =	task.clear_ibuf [dreg:s8], $0x2FFFF;
	_ =	strace $0x9FFFFFFF  }
0xc9: {  	(tm) =	ssettm $0x7FFFFFFF  }
tec
execute0_lowered:
.L_overlay_start_1:
0x0: {  	(tag) =	ssettag $0x1  }
0x1: {  	s0 =	rddreg [dreg:$0x0]  }
0x2: {  	s1 =	srdreg.scid;
	s7 =	stileid.u32  }
0x3: {  	s4 =	rddreg [dreg:$0x1];
	s1 =	sand.u32 $0x1, s1;
	s2 =	sshll.u32 s7, $0x1  }
0x4: {  	s3 =	rddreg [dreg:$0x2];
	s5 =	sor.u32 s1, s2;
	s2 =	simm.s32 $0x0  }
0x5: {  	s21 =	simm.s32 $0x1480;
	[smem:$0x7FF] =	sst s2  }
0x6: {  	s22 =	simm.s32 $0x100;
	_ =	strace $0x80000047;
	[dreg:$0x6] =	wrdreg s21  }
0x7: {  	s23 =	simm.s32 $0x1C80;
	[dreg:$0x7] =	wrdreg s22  }
0x8: {  	s24 =	simm.s32 $0x180;
	[dreg:$0x8] =	wrdreg s23  }
0x9: {  	s25 =	simm.s32 $0x2480;
	[dreg:$0x9] =	wrdreg s24  }
0xa: {  	s26 =	simm.s32 $0x200;
	[dreg:$0xa] =	wrdreg s25  }
0xb: {  	s9 =	simm.s32 $0x380;
	[dreg:$0xb] =	wrdreg s26  }
0xc: {  	s10 =	simm.s32 $0x4480;
	[dreg:$0x11] =	wrdreg s9  }
0xd: {  	s11 =	simm.s32 $0x400;
	[dreg:$0x12] =	wrdreg s10  }
0xe: {  	s12 =	simm.s32 $0x4C80;
	s13 =	simm.s32 $0x480;
	[dreg:$0x13] =	wrdreg s11  }
0xf: {  	s14 =	simm.s32 $0x5480;
	s15 =	simm.s32 $0x500;
	[dreg:$0x14] =	wrdreg s12  }
0x10: {  	s16 =	simm.s32 $0x5C80;
	s17 =	simm.s32 $0x580;
	[dreg:$0x15] =	wrdreg s13  }
0x11: {  	s18 =	simm.s32 $0x6480;
	p0 =	sgt.u32 s7, $0x7;
	[dreg:$0x16] =	wrdreg s14  }
0x12: {  	s6 =	sadd.s32 $0xFFFFFFF0, s5;
	s20 =	smul.u32 $0x190, s5;
	[dreg:$0x17] =	wrdreg s15  }
0x13: {  	s7 =	smov.u32 s5;
	s5 =	smul.u32 $0x1900, s5;
	[dreg:$0x18] =	wrdreg s16  }
0x14: {  	s8 =	smul.u32 $0xC80, s6;
	s7 =	smov.u32 @p0 s6;
	[dreg:$0x19] =	wrdreg s17  }
0x15: {  	[dreg:$0x1a] =	wrdreg s18;
	s22 =	simm.s32 $0x680;
	s6 =	smul.u32 $0xC800, s7  }
0x16: {  	s0 =	sadd.s32 s0, s20;
	s3 =	sadd.s32 s3, s5;
	s20 =	simm.s32 $0x6C80  }
0x17: {  	[dreg:$0x1d] =	wrdreg s22;
	s19 =	sshrl.u32 s8, $0x3;
	s8 =	simm.s32 $0x3C80  }
0x18: {  	[dreg:$0x1c] =	wrdreg s20;
	s7 =	sadd.s32 s19, s4;
	s6 =	sshrl.u32 s6, $0x3  }
0x19: {  	[dreg:$0x10] =	wrdreg s8;
	s19 =	simm.s32 $0x600;
	s7 =	sadd.s32 $0xE00, s7  }
0x1a: {  	s6 =	sadd.s32 s6, s4;
	[dreg:$0x1b] =	wrdreg s19;
	s0 =	smov.u32 @p0 s7  }
0x1b: {  	s5 =	sadd.s32 $0x2800, s6;
	s6 =	simm.s32 $0x3480;
	[dreg:$0x4] =	wrdreg s0  }
0x1c: {  	s7 =	simm.s32 $0x300;
	[dreg:$0xe] =	wrdreg s6  }
0x1d: {  	s3 =	smov.u32 @p0 s5;
	[dreg:$0xf] =	wrdreg s7  }
0x1e: {  	s5 =	simm.s32 $0x280;
	[dreg:$0x5] =	wrdreg s3  }
0x1f: {  	[dreg:$0xd] =	wrdreg s5  }
0x20: {  	s3 =	simm.s32 $0x2C80;
	s21 =	rddreg [dreg:$0x4]  }
0x21: {  	[dreg:$0xc] =	wrdreg s3;
	s3 =	simm.s32 $0x2  }
0x22: {  	[tilespmem:s2], [sflag:$0x2] =	stream.linear.gather [hbm4b:s21+s2], $0xC80, $0x38;
	[tilespmem:$0xD480] =	vst v63  }
0x23: {  	_ =	swait.ge [sflag:s3], $0xC80  }
0x24: {  	s0 =	rddreg [dreg:$0x1c]  }
0x25: {  	s7 =	rddreg [dreg:$0x1a]  }
0x26: {  	s23 =	rddreg [dreg:$0x18]  }
0x27: {  	s9 =	rddreg [dreg:$0x16]  }
0x28: {  	s10 =	rddreg [dreg:$0x14]  }
0x29: {  	s11 =	rddreg [dreg:$0x12]  }
0x2a: {  	s12 =	rddreg [dreg:$0x10]  }
0x2b: {  	s13 =	rddreg [dreg:$0xe]  }
0x2c: {  	s6 =	simm.s32 $0x80;
	s14 =	rddreg [dreg:$0xc]  }
0x2d: {  	s5 =	sadd.s32 $0xF43200, s4;
	s15 =	rddreg [dreg:$0x7];
	[sflag:s3] =	ssyncset.done $0x0  }
0x2e: {  	s4 =	simm.s32 $0xC80;
	s16 =	rddreg [dreg:$0x6];
	[sflag:s3] =	ssyncadd.s32 $0xFFFFF380  }
0x2f: {  	[tilespmem:s4], [sflag:$0x1] =	stream.indirect.gather [hbm4b:s5+s6], $0x10, s2, s6, $0xb8;
	[tilespmem:$0xD480] =	vst v63  }
0x30: {  	s17 =	rddreg [dreg:$0x8]  }
0x31: {  	[tilespmem:s16], [sflag:$0x1] =	stream.indirect.gather [hbm4b:s5+s6], $0x10, s6, s6, $0xb8;
	[tilespmem:$0xD480] =	vst v63  }
0x32: {  	s18 =	rddreg [dreg:$0xa]  }
0x33: {  	[tilespmem:s17], [sflag:$0x1] =	stream.indirect.gather [hbm4b:s5+s6], $0x10, s15, s6, $0xb8;
	[tilespmem:$0xD480] =	vst v63  }
0x34: {  	s24 =	rddreg [dreg:$0x9]  }
0x35: {  	[tilespmem:s18], [sflag:$0x1] =	stream.indirect.gather [hbm4b:s5+s6], $0x10, s24, s6, $0xb8;
	[tilespmem:$0xD480] =	vst v63  }
0x36: {  	s25 =	rddreg [dreg:$0xb]  }
0x37: {  	[tilespmem:s14], [sflag:$0x1] =	stream.indirect.gather [hbm4b:s5+s6], $0x10, s25, s6, $0xb8;
	[tilespmem:$0xD480] =	vst v63  }
0x38: {  	s26 =	rddreg [dreg:$0xd]  }
0x39: {  	[tilespmem:s13], [sflag:$0x1] =	stream.indirect.gather [hbm4b:s5+s6], $0x10, s26, s6, $0xb8;
	[tilespmem:$0xD480] =	vst v63  }
0x3a: {  	s15 =	rddreg [dreg:$0xf]  }
0x3b: {  	[tilespmem:s12], [sflag:$0x1] =	stream.indirect.gather [hbm4b:s5+s6], $0x10, s15, s6, $0xb8;
	[tilespmem:$0xD480] =	vst v63  }
0x3c: {  	s17 =	rddreg [dreg:$0x11]  }
0x3d: {  	[tilespmem:s11], [sflag:$0x1] =	stream.indirect.gather [hbm4b:s5+s6], $0x10, s17, s6, $0xb8;
	[tilespmem:$0xD480] =	vst v63  }
0x3e: {  	s18 =	rddreg [dreg:$0x13]  }
0x3f: {  	[tilespmem:s10], [sflag:$0x1] =	stream.indirect.gather [hbm4b:s5+s6], $0x10, s18, s6, $0xb8;
	[tilespmem:$0xD480] =	vst v63  }
0x40: {  	s19 =	rddreg [dreg:$0x15]  }
0x41: {  	[tilespmem:s9], [sflag:$0x1] =	stream.indirect.gather [hbm4b:s5+s6], $0x10, s19, s6, $0xb8;
	[tilespmem:$0xD480] =	vst v63  }
0x42: {  	s20 =	rddreg [dreg:$0x17]  }
0x43: {  	[tilespmem:s23], [sflag:$0x1] =	stream.indirect.gather [hbm4b:s5+s6], $0x10, s20, s6, $0xb8;
	[tilespmem:$0xD480] =	vst v63  }
0x44: {  	s21 =	rddreg [dreg:$0x19]  }
0x45: {  	[tilespmem:s7], [sflag:$0x1] =	stream.indirect.gather [hbm4b:s5+s6], $0x10, s21, s6, $0xb8;
	[tilespmem:$0xD480] =	vst v63  }
0x46: {  	s22 =	rddreg [dreg:$0x1b]  }
0x47: {  	[tilespmem:s0], [sflag:$0x1] =	stream.indirect.gather [hbm4b:s5+s6], $0x10, s22, s6, $0xb8;
	[tilespmem:$0xD480] =	vst v63  }
0x48: {  	s24 =	simm.s32 $0x7480;
	s23 =	rddreg [dreg:$0x1d]  }
0x49: {  	[tilespmem:s24], [sflag:$0x1] =	stream.indirect.gather [hbm4b:s5+s6], $0x10, s23, s6, $0xb8;
	[tilespmem:$0xD480] =	vst v63  }
0x4a: {  	s25 =	simm.s32 $0x700;
	s26 =	simm.s32 $0x7C80  }
0x4b: {  	[tilespmem:s26], [sflag:$0x1] =	stream.indirect.gather [hbm4b:s5+s6], $0x10, s25, s6, $0xb8;
	[tilespmem:$0xD480] =	vst v63  }
0x4c: {  	s8 =	simm.s32 $0x780;
	s9 =	simm.s32 $0x8480  }
0x4d: {  	[tilespmem:s9], [sflag:$0x1] =	stream.indirect.gather [hbm4b:s5+s6], $0x10, s8, s6, $0xb8;
	[tilespmem:$0xD480] =	vst v63  }
0x4e: {  	s11 =	simm.s32 $0x8C80;
	s10 =	simm.s32 $0x800  }
0x4f: {  	[tilespmem:s11], [sflag:$0x1] =	stream.indirect.gather [hbm4b:s5+s6], $0x10, s10, s6, $0xb8;
	[tilespmem:$0xD480] =	vst v63  }
0x50: {  	s13 =	simm.s32 $0x9480;
	s12 =	simm.s32 $0x880  }
0x51: {  	[tilespmem:s13], [sflag:$0x1] =	stream.indirect.gather [hbm4b:s5+s6], $0x10, s12, s6, $0xb8;
	[tilespmem:$0xD480] =	vst v63  }
0x52: {  	s14 =	simm.s32 $0x900;
	s15 =	simm.s32 $0x9C80  }
0x53: {  	[tilespmem:s15], [sflag:$0x1] =	stream.indirect.gather [hbm4b:s5+s6], $0x10, s14, s6, $0xb8;
	[tilespmem:$0xD480] =	vst v63  }
0x54: {  	s16 =	simm.s32 $0x980;
	s17 =	simm.s32 $0xA480  }
0x55: {  	[tilespmem:s17], [sflag:$0x1] =	stream.indirect.gather [hbm4b:s5+s6], $0x10, s16, s6, $0xb8;
	[tilespmem:$0xD480] =	vst v63  }
0x56: {  	s20 =	simm.s32 $0xA00;
	s21 =	simm.s32 $0xAC80  }
0x57: {  	[tilespmem:s21], [sflag:$0x1] =	stream.indirect.gather [hbm4b:s5+s6], $0x10, s20, s6, $0xb8;
	[tilespmem:$0xD480] =	vst v63  }
0x58: {  	s22 =	simm.s32 $0xA80;
	s23 =	simm.s32 $0xB480  }
0x59: {  	[tilespmem:s23], [sflag:$0x1] =	stream.indirect.gather [hbm4b:s5+s6], $0x10, s22, s6, $0xb8;
	[tilespmem:$0xD480] =	vst v63  }
0x5a: {  	s24 =	simm.s32 $0xB00;
	s26 =	simm.s32 $0xBC80  }
0x5b: {  	[tilespmem:s26], [sflag:$0x1] =	stream.indirect.gather [hbm4b:s5+s6], $0x10, s24, s6, $0xb8;
	[tilespmem:$0xD480] =	vst v63  }
0x5c: {  	s28 =	simm.s32 $0xB80;
	s29 =	simm.s32 $0xC480  }
0x5d: {  	[tilespmem:s29], [sflag:$0x1] =	stream.indirect.gather [hbm4b:s5+s6], $0x10, s28, s6, $0xb8;
	[tilespmem:$0xD480] =	vst v63  }
0x5e: {  	s30 =	simm.s32 $0xC00;
	s31 =	simm.s32 $0xCC80;
	s25 =	simm.s32 $0x1  }
0x5f: {  	[tilespmem:s31], [sflag:$0x1] =	stream.indirect.gather [hbm4b:s5+s6], $0x10, s30, s6, $0xb8;
	[tilespmem:$0xD480] =	vst v63  }
0x60: {  	_ =	swait.ge [sflag:s25], $0x800  }
0x61: {  	[sflag:s25] =	ssyncset.done $0x0  }
0x62: {  	[sflag:s25] =	ssyncadd.s32 $0xFFFFF800  }
0x63: {  	_ =	swait.ge [sflag:s25], $0x800  }
0x64: {  	[sflag:s25] =	ssyncset.done $0x0  }
0x65: {  	[sflag:s25] =	ssyncadd.s32 $0xFFFFF800  }
0x66: {  	_ =	swait.ge [sflag:s25], $0x800  }
0x67: {  	[sflag:s25] =	ssyncset.done $0x0  }
0x68: {  	[sflag:s25] =	ssyncadd.s32 $0xFFFFF800  }
0x69: {  	_ =	swait.ge [sflag:s25], $0x800  }
0x6a: {  	[sflag:s25] =	ssyncset.done $0x0  }
0x6b: {  	[sflag:s25] =	ssyncadd.s32 $0xFFFFF800  }
0x6c: {  	_ =	swait.ge [sflag:s25], $0x800  }
0x6d: {  	[sflag:s25] =	ssyncset.done $0x0  }
0x6e: {  	[sflag:s25] =	ssyncadd.s32 $0xFFFFF800  }
0x6f: {  	_ =	swait.ge [sflag:s25], $0x800  }
0x70: {  	[sflag:s25] =	ssyncset.done $0x0  }
0x71: {  	[sflag:s25] =	ssyncadd.s32 $0xFFFFF800  }
0x72: {  	_ =	swait.ge [sflag:s25], $0x800  }
0x73: {  	[sflag:s25] =	ssyncset.done $0x0  }
0x74: {  	[sflag:s25] =	ssyncadd.s32 $0xFFFFF800  }
0x75: {  	_ =	swait.ge [sflag:s25], $0x800  }
0x76: {  	[sflag:s25] =	ssyncset.done $0x0  }
0x77: {  	[sflag:s25] =	ssyncadd.s32 $0xFFFFF800  }
0x78: {  	_ =	swait.ge [sflag:s25], $0x800  }
0x79: {  	[sflag:s25] =	ssyncset.done $0x0  }
0x7a: {  	[sflag:s25] =	ssyncadd.s32 $0xFFFFF800  }
0x7b: {  	_ =	swait.ge [sflag:s25], $0x800  }
0x7c: {  	[sflag:s25] =	ssyncset.done $0x0  }
0x7d: {  	[sflag:s25] =	ssyncadd.s32 $0xFFFFF800  }
0x7e: {  	_ =	swait.ge [sflag:s25], $0x800  }
0x7f: {  	[sflag:s25] =	ssyncset.done $0x0  }
0x80: {  	[sflag:s25] =	ssyncadd.s32 $0xFFFFF800  }
0x81: {  	_ =	swait.ge [sflag:s25], $0x800  }
0x82: {  	[sflag:s25] =	ssyncset.done $0x0  }
0x83: {  	[sflag:s25] =	ssyncadd.s32 $0xFFFFF800  }
0x84: {  	_ =	swait.ge [sflag:s25], $0x800  }
0x85: {  	[sflag:s25] =	ssyncset.done $0x0  }
0x86: {  	[sflag:s25] =	ssyncadd.s32 $0xFFFFF800  }
0x87: {  	_ =	swait.ge [sflag:s25], $0x800  }
0x88: {  	[sflag:s25] =	ssyncset.done $0x0  }
0x89: {  	[sflag:s25] =	ssyncadd.s32 $0xFFFFF800  }
0x8a: {  	_ =	swait.ge [sflag:s25], $0x800  }
0x8b: {  	[sflag:s25] =	ssyncset.done $0x0  }
0x8c: {  	[sflag:s25] =	ssyncadd.s32 $0xFFFFF800  }
0x8d: {  	_ =	swait.ge [sflag:s25], $0x800  }
0x8e: {  	[sflag:s25] =	ssyncset.done $0x0  }
0x8f: {  	[sflag:s25] =	ssyncadd.s32 $0xFFFFF800  }
0x90: {  	_ =	swait.ge [sflag:s25], $0x800  }
0x91: {  	[sflag:s25] =	ssyncset.done $0x0  }
0x92: {  	[sflag:s25] =	ssyncadd.s32 $0xFFFFF800  }
0x93: {  	_ =	swait.ge [sflag:s25], $0x800  }
0x94: {  	[sflag:s25] =	ssyncset.done $0x0  }
0x95: {  	[sflag:s25] =	ssyncadd.s32 $0xFFFFF800  }
0x96: {  	_ =	swait.ge [sflag:s25], $0x800  }
0x97: {  	[sflag:s25] =	ssyncset.done $0x0  }
0x98: {  	[sflag:s25] =	ssyncadd.s32 $0xFFFFF800  }
0x99: {  	_ =	swait.ge [sflag:s25], $0x800  }
0x9a: {  	s18 =	ssub.s32 $0x2, s1;
	[sflag:s25] =	ssyncset.done $0x0  }
0x9b: {  	s1 =	sshrl.u32 s18, $0x1;
	[sflag:s25] =	ssyncadd.s32 $0xFFFFF800  }
0x9c: {  	s0 =	ssub.s32 s18, s1;
	_ =	swait.ge [sflag:s25], $0x800  }
0x9d: {  	s0 =	smax.u32 s0, $0x1;
	[sflag:s25] =	ssyncset.done $0x0  }
0x9e: {  	p0 =	sne.s32 s0, $0x1;
	[sflag:s25] =	ssyncadd.s32 $0xFFFFF800  }
.Ltmp0:
0x9f: {  	_ =	swait.ge [sflag:s25], $0x800;
	(pc) =	sbr.rel @!p0 .LBB2_2-.Ltmp0, $4  }
0xa0: {  	[sflag:s25] =	ssyncset.done $0x0  }
0xa1: {  	[sflag:s25] =	ssyncadd.s32 $0xFFFFF800  }
0xa2: {  	_ =	swait.ge [sflag:s25], $0x800  }
0xa3: {  	s19 =	simm.s32 $0xA480;
	s1 =	sadd.s32 $0xFFFFFFFF, s0;
	[sflag:s25] =	ssyncset.done $0x0  }
.LBB2_1:
0xa4: {  	[sflag:s25] =	ssyncadd.s32 $0xFFFFF800  }
0xa5: {  	_ =	swait.ge [sflag:s25], $0x800  }
0xa6: {  	[sflag:s25] =	ssyncset.done $0x0  }
0xa7: {  	[sflag:s25] =	ssyncadd.s32 $0xFFFFF800  }
0xa8: {  	_ =	swait.ge [sflag:s25], $0x800  }
0xa9: {  	[sflag:s25] =	ssyncset.done $0x0  }
0xaa: {  	s0 =	rddreg [dreg:$0x5];
	[sflag:s25] =	ssyncadd.s32 $0xFFFFF800  }
0xab: {  	[hbm4b:s0+s2] =	stream.linear.scatter [tilespmem:s4], [sflag:$0x2], $0xC800, $0x38;
	[tilespmem:$0xD480] =	vst v63  }
0xac: {  	_ =	swait.ge [sflag:s3], $0xC800  }
0xad: {  	[sflag:s3] =	ssyncset.done $0x0  }
0xae: {  	s16 =	rddreg [dreg:$0x4];
	[sflag:s3] =	ssyncadd.s32 $0xFFFF3800  }
0xaf: {  	[tilespmem:s2], [sflag:$0x2] =	stream.linear.gather [hbm4b:s16+s2], $0xC80, $0x38;
	[tilespmem:$0xD480] =	vst v63  }
0xb0: {  	_ =	swait.ge [sflag:s3], $0xC80  }
0xb1: {  	s0 =	rddreg [dreg:$0x1c]  }
0xb2: {  	s7 =	rddreg [dreg:$0x1a]  }
0xb3: {  	s8 =	rddreg [dreg:$0x18]  }
0xb4: {  	s9 =	rddreg [dreg:$0x16]  }
0xb5: {  	s10 =	rddreg [dreg:$0x14]  }
0xb6: {  	s11 =	rddreg [dreg:$0x12]  }
0xb7: {  	s12 =	rddreg [dreg:$0x10]  }
0xb8: {  	s13 =	rddreg [dreg:$0xe]  }
0xb9: {  	s14 =	rddreg [dreg:$0xc]  }
0xba: {  	s15 =	rddreg [dreg:$0x7];
	[sflag:s3] =	ssyncset.done $0x0  }
0xbb: {  	s16 =	rddreg [dreg:$0x6];
	[sflag:s3] =	ssyncadd.s32 $0xFFFFF380  }
0xbc: {  	[tilespmem:s4], [sflag:$0x1] =	stream.indirect.gather [hbm4b:s5+s6], $0x10, s2, s6, $0xb8;
	[tilespmem:$0xD480] =	vst v63  }
0xbd: {  	s17 =	rddreg [dreg:$0x8]  }
0xbe: {  	[tilespmem:s16], [sflag:$0x1] =	stream.indirect.gather [hbm4b:s5+s6], $0x10, s6, s6, $0xb8;
	[tilespmem:$0xD480] =	vst v63  }
0xbf: {  	s18 =	rddreg [dreg:$0xa]  }
0xc0: {  	[tilespmem:s17], [sflag:$0x1] =	stream.indirect.gather [hbm4b:s5+s6], $0x10, s15, s6, $0xb8;
	[tilespmem:$0xD480] =	vst v63  }
0xc1: {  	s16 =	rddreg [dreg:$0x9]  }
0xc2: {  	[tilespmem:s18], [sflag:$0x1] =	stream.indirect.gather [hbm4b:s5+s6], $0x10, s16, s6, $0xb8;
	[tilespmem:$0xD480] =	vst v63  }
0xc3: {  	s17 =	rddreg [dreg:$0xb]  }
0xc4: {  	[tilespmem:s14], [sflag:$0x1] =	stream.indirect.gather [hbm4b:s5+s6], $0x10, s17, s6, $0xb8;
	[tilespmem:$0xD480] =	vst v63  }
0xc5: {  	s18 =	rddreg [dreg:$0xd]  }
0xc6: {  	[tilespmem:s13], [sflag:$0x1] =	stream.indirect.gather [hbm4b:s5+s6], $0x10, s18, s6, $0xb8;
	[tilespmem:$0xD480] =	vst v63  }
0xc7: {  	s15 =	rddreg [dreg:$0xf]  }
0xc8: {  	[tilespmem:s12], [sflag:$0x1] =	stream.indirect.gather [hbm4b:s5+s6], $0x10, s15, s6, $0xb8;
	[tilespmem:$0xD480] =	vst v63  }
0xc9: {  	s17 =	rddreg [dreg:$0x11]  }
0xca: {  	[tilespmem:s11], [sflag:$0x1] =	stream.indirect.gather [hbm4b:s5+s6], $0x10, s17, s6, $0xb8;
	[tilespmem:$0xD480] =	vst v63  }
0xcb: {  	s18 =	rddreg [dreg:$0x13]  }
0xcc: {  	[tilespmem:s10], [sflag:$0x1] =	stream.indirect.gather [hbm4b:s5+s6], $0x10, s18, s6, $0xb8;
	[tilespmem:$0xD480] =	vst v63  }
0xcd: {  	s13 =	rddreg [dreg:$0x15]  }
0xce: {  	[tilespmem:s9], [sflag:$0x1] =	stream.indirect.gather [hbm4b:s5+s6], $0x10, s13, s6, $0xb8;
	[tilespmem:$0xD480] =	vst v63  }
0xcf: {  	s14 =	rddreg [dreg:$0x17]  }
0xd0: {  	[tilespmem:s8], [sflag:$0x1] =	stream.indirect.gather [hbm4b:s5+s6], $0x10, s14, s6, $0xb8;
	[tilespmem:$0xD480] =	vst v63  }
0xd1: {  	s15 =	rddreg [dreg:$0x19]  }
0xd2: {  	[tilespmem:s7], [sflag:$0x1] =	stream.indirect.gather [hbm4b:s5+s6], $0x10, s15, s6, $0xb8;
	[tilespmem:$0xD480] =	vst v63  }
0xd3: {  	s16 =	rddreg [dreg:$0x1b]  }
0xd4: {  	[tilespmem:s0], [sflag:$0x1] =	stream.indirect.gather [hbm4b:s5+s6], $0x10, s16, s6, $0xb8;
	[tilespmem:$0xD480] =	vst v63  }
0xd5: {  	s17 =	rddreg [dreg:$0x1d];
	s18 =	simm.s32 $0x7480  }
0xd6: {  	[tilespmem:s18], [sflag:$0x1] =	stream.indirect.gather [hbm4b:s5+s6], $0x10, s17, s6, $0xb8;
	[tilespmem:$0xD480] =	vst v63  }
0xd7: {  	s9 =	simm.s32 $0x7C80;
	s8 =	simm.s32 $0x700  }
0xd8: {  	[tilespmem:s9], [sflag:$0x1] =	stream.indirect.gather [hbm4b:s5+s6], $0x10, s8, s6, $0xb8;
	[tilespmem:$0xD480] =	vst v63  }
0xd9: {  	s11 =	simm.s32 $0x8480;
	s10 =	simm.s32 $0x780  }
0xda: {  	[tilespmem:s11], [sflag:$0x1] =	stream.indirect.gather [hbm4b:s5+s6], $0x10, s10, s6, $0xb8;
	[tilespmem:$0xD480] =	vst v63  }
0xdb: {  	s12 =	simm.s32 $0x800;
	s13 =	simm.s32 $0x8C80  }
0xdc: {  	[tilespmem:s13], [sflag:$0x1] =	stream.indirect.gather [hbm4b:s5+s6], $0x10, s12, s6, $0xb8;
	[tilespmem:$0xD480] =	vst v63  }
0xdd: {  	s14 =	simm.s32 $0x880;
	s15 =	simm.s32 $0x9480  }
0xde: {  	[tilespmem:s15], [sflag:$0x1] =	stream.indirect.gather [hbm4b:s5+s6], $0x10, s14, s6, $0xb8;
	[tilespmem:$0xD480] =	vst v63  }
0xdf: {  	s16 =	simm.s32 $0x900;
	s17 =	simm.s32 $0x9C80  }
0xe0: {  	[tilespmem:s17], [sflag:$0x1] =	stream.indirect.gather [hbm4b:s5+s6], $0x10, s16, s6, $0xb8;
	[tilespmem:$0xD480] =	vst v63  }
0xe1: {  	s18 =	simm.s32 $0x980  }
0xe2: {  	[tilespmem:s19], [sflag:$0x1] =	stream.indirect.gather [hbm4b:s5+s6], $0x10, s18, s6, $0xb8;
	[tilespmem:$0xD480] =	vst v63  }
0xe3: {  	_ = 	snop  }
0xe4: {  	[tilespmem:s21], [sflag:$0x1] =	stream.indirect.gather [hbm4b:s5+s6], $0x10, s20, s6, $0xb8;
	[tilespmem:$0xD480] =	vst v63  }
0xe5: {  	_ = 	snop  }
0xe6: {  	[tilespmem:s23], [sflag:$0x1] =	stream.indirect.gather [hbm4b:s5+s6], $0x10, s22, s6, $0xb8;
	[tilespmem:$0xD480] =	vst v63  }
0xe7: {  	_ = 	snop  }
0xe8: {  	[tilespmem:s26], [sflag:$0x1] =	stream.indirect.gather [hbm4b:s5+s6], $0x10, s24, s6, $0xb8;
	[tilespmem:$0xD480] =	vst v63  }
0xe9: {  	_ = 	snop  }
0xea: {  	[tilespmem:s29], [sflag:$0x1] =	stream.indirect.gather [hbm4b:s5+s6], $0x10, s28, s6, $0xb8;
	[tilespmem:$0xD480] =	vst v63  }
0xeb: {  	_ = 	snop  }
0xec: {  	[tilespmem:s31], [sflag:$0x1] =	stream.indirect.gather [hbm4b:s5+s6], $0x10, s30, s6, $0xb8;
	[tilespmem:$0xD480] =	vst v63  }
0xed: {  	_ =	swait.ge [sflag:s25], $0x800  }
0xee: {  	[sflag:s25] =	ssyncset.done $0x0  }
0xef: {  	[sflag:s25] =	ssyncadd.s32 $0xFFFFF800  }
0xf0: {  	_ =	swait.ge [sflag:s25], $0x800  }
0xf1: {  	[sflag:s25] =	ssyncset.done $0x0  }
0xf2: {  	[sflag:s25] =	ssyncadd.s32 $0xFFFFF800  }
0xf3: {  	_ =	swait.ge [sflag:s25], $0x800  }
0xf4: {  	[sflag:s25] =	ssyncset.done $0x0  }
0xf5: {  	[sflag:s25] =	ssyncadd.s32 $0xFFFFF800  }
0xf6: {  	_ =	swait.ge [sflag:s25], $0x800  }
0xf7: {  	[sflag:s25] =	ssyncset.done $0x0  }
0xf8: {  	[sflag:s25] =	ssyncadd.s32 $0xFFFFF800  }
0xf9: {  	_ =	swait.ge [sflag:s25], $0x800  }
0xfa: {  	[sflag:s25] =	ssyncset.done $0x0  }
0xfb: {  	[sflag:s25] =	ssyncadd.s32 $0xFFFFF800  }
0xfc: {  	_ =	swait.ge [sflag:s25], $0x800  }
0xfd: {  	[sflag:s25] =	ssyncset.done $0x0  }
0xfe: {  	[sflag:s25] =	ssyncadd.s32 $0xFFFFF800  }
0xff: {  	_ =	swait.ge [sflag:s25], $0x800  }
0x100: {  	[sflag:s25] =	ssyncset.done $0x0  }
0x101: {  	[sflag:s25] =	ssyncadd.s32 $0xFFFFF800  }
0x102: {  	_ =	swait.ge [sflag:s25], $0x800  }
0x103: {  	[sflag:s25] =	ssyncset.done $0x0  }
0x104: {  	[sflag:s25] =	ssyncadd.s32 $0xFFFFF800  }
0x105: {  	_ =	swait.ge [sflag:s25], $0x800  }
0x106: {  	[sflag:s25] =	ssyncset.done $0x0  }
0x107: {  	[sflag:s25] =	ssyncadd.s32 $0xFFFFF800  }
0x108: {  	_ =	swait.ge [sflag:s25], $0x800  }
0x109: {  	[sflag:s25] =	ssyncset.done $0x0  }
0x10a: {  	[sflag:s25] =	ssyncadd.s32 $0xFFFFF800  }
0x10b: {  	_ =	swait.ge [sflag:s25], $0x800  }
0x10c: {  	[sflag:s25] =	ssyncset.done $0x0  }
0x10d: {  	[sflag:s25] =	ssyncadd.s32 $0xFFFFF800  }
0x10e: {  	_ =	swait.ge [sflag:s25], $0x800  }
0x10f: {  	[sflag:s25] =	ssyncset.done $0x0  }
0x110: {  	[sflag:s25] =	ssyncadd.s32 $0xFFFFF800  }
0x111: {  	_ =	swait.ge [sflag:s25], $0x800  }
0x112: {  	[sflag:s25] =	ssyncset.done $0x0  }
0x113: {  	[sflag:s25] =	ssyncadd.s32 $0xFFFFF800  }
0x114: {  	_ =	swait.ge [sflag:s25], $0x800  }
0x115: {  	[sflag:s25] =	ssyncset.done $0x0  }
0x116: {  	[sflag:s25] =	ssyncadd.s32 $0xFFFFF800  }
0x117: {  	_ =	swait.ge [sflag:s25], $0x800  }
0x118: {  	[sflag:s25] =	ssyncset.done $0x0  }
0x119: {  	[sflag:s25] =	ssyncadd.s32 $0xFFFFF800  }
0x11a: {  	_ =	swait.ge [sflag:s25], $0x800  }
0x11b: {  	[sflag:s25] =	ssyncset.done $0x0  }
0x11c: {  	[sflag:s25] =	ssyncadd.s32 $0xFFFFF800  }
0x11d: {  	_ =	swait.ge [sflag:s25], $0x800  }
0x11e: {  	[sflag:s25] =	ssyncset.done $0x0  }
0x11f: {  	[sflag:s25] =	ssyncadd.s32 $0xFFFFF800  }
0x120: {  	_ =	swait.ge [sflag:s25], $0x800  }
0x121: {  	[sflag:s25] =	ssyncset.done $0x0  }
0x122: {  	[sflag:s25] =	ssyncadd.s32 $0xFFFFF800  }
0x123: {  	_ =	swait.ge [sflag:s25], $0x800  }
0x124: {  	[sflag:s25] =	ssyncset.done $0x0  }
0x125: {  	[sflag:s25] =	ssyncadd.s32 $0xFFFFF800  }
0x126: {  	_ =	swait.ge [sflag:s25], $0x800  }
0x127: {  	[sflag:s25] =	ssyncset.done $0x0  }
0x128: {  	[sflag:s25] =	ssyncadd.s32 $0xFFFFF800  }
0x129: {  	_ =	swait.ge [sflag:s25], $0x800  }
0x12a: {  	[sflag:s25] =	ssyncset.done $0x0  }
0x12b: {  	p0 =	sne.s32 s1, $0x1;
	[sflag:s25] =	ssyncadd.s32 $0xFFFFF800  }
.Ltmp1:
0x12c: {  	_ =	swait.ge [sflag:s25], $0x800;
	(pc) =	sbr.rel @p0 .LBB2_1-.Ltmp1, $4  }
0x12d: {  	[sflag:s25] =	ssyncset.done $0x0  }
0x12e: {  	[sflag:s25] =	ssyncadd.s32 $0xFFFFF800  }
0x12f: {  	_ =	swait.ge [sflag:s25], $0x800  }
0x130: {  	s1 =	sadd.s32 $0xFFFFFFFF, s1;
	[sflag:s25] =	ssyncset.done $0x0  }
.LBB2_2:
0x131: {  	[sflag:s25] =	ssyncadd.s32 $0xFFFFF800  }
0x132: {  	_ =	swait.ge [sflag:s25], $0x800  }
0x133: {  	[sflag:s25] =	ssyncset.done $0x0  }
0x134: {  	[sflag:s25] =	ssyncadd.s32 $0xFFFFF800  }
0x135: {  	_ =	swait.ge [sflag:s25], $0x800  }
0x136: {  	[sflag:s25] =	ssyncset.done $0x0  }
0x137: {  	s0 =	rddreg [dreg:$0x5];
	[sflag:s25] =	ssyncadd.s32 $0xFFFFF800  }
0x138: {  	[hbm4b:s0+s2] =	stream.linear.scatter [tilespmem:s4], [sflag:$0x2], $0xC800, $0x38;
	[tilespmem:$0xD480] =	vst v63  }
0x139: {  	_ =	swait.ge [sflag:s3], $0xC800  }
0x13a: {  	[sflag:s3] =	ssyncset.done $0x0  }
0x13b: {  	[sflag:s3] =	ssyncadd.s32 $0xFFFF3800  }
0x13c: {  	_ =	sfence.sel $0x180000  }
0x13d: {  	[bflag:$0x0] =	sbarrier.arrive $0xFFFF  }
0x13e: {  	_ =	strace $0x90000047  }
0x13f: {  	s31 =	stileid.u32;
	[bflag:$0x2] =	sbarrier.arrive $0xFFFF  }
0x140: {  	p0 =	sne.s32 s31, $0x0;
	s0 =	rddreg [dreg:$0x3]  }
0x141: {  	s0 =	sadd.s32 @!p0 $0x100000, s0  }
0x142: {  	[sflag:s0] =	ssyncadd.tile.s32 @!p0 $0x1;
	_ =	shalt  }
.Lfunc_end2:
_tile_overlayer_lowered:
.L_overlay_start_2:
0x143: {  	(tag) =	ssettag $0x2  }
0x144: {  	s0 =	rddreg [dreg:$0x0];
	s2 =	stileid.u32  }
0x145: {  	s1 =	rddreg [dreg:$0x1];
	p0 =	sne.s32 s2, $0x0  }
0x146: {  	s3 =	rddreg [dreg:$0x2];
	[bflag:$0x3] =	sbarrier.arrive $0xFFFF;
	s2 =	simm.s32 @!p0 $0x1C02  }
0x147: {  	[timem:s3], [sflag:s2] =	dma.local @!p0 [hbm:s0], s1  }
0x148: {  	s0 =	simm.s32 @!p0 $0x2  }
0x149: {  	_ =	swait.ge @!p0 [sflag:s0], s1  }
0x14a: {  	s1 =	ssub.s32 @!p0 $0x0, s1;
	[sflag:s0] =	ssyncset.done @!p0 $0x0  }
0x14b: {  	[sflag:s0] =	ssyncadd.s32 @!p0 s1  }
0x14c: {  	[bflag:$0x3] =	sbarrier.arrive $0xFFFF  }
0x14d: {  	_ =	shalt  }

</sc_bundles>
